<compile_context>
chip_gen: v7x
topology: tpu7x:2x2x1
jax: 0.10.2.dev20260603
libtpu: 0.0.44.dev20260713+nightly
codegen_flags: <defaults>
</compile_context>

<pallas_src>
import jax
import jax.numpy as jnp
from jax import lax
from jax.experimental import pallas as pl
from jax.experimental.pallas import tpu as pltpu
from jax.experimental.pallas import tpu_sc as plsc

_NC = 2
_NS = 16
_L = 16
_NW = _NC * _NS
_CHUNK = 2048
_CHUNKS_PER_TILE = 16
_PER_TILE = _CHUNK * _CHUNKS_PER_TILE
_NP = _PER_TILE * _NW
_NROWS = 65536
_K = 256
_JROWS = _CHUNK // 128


def _sc_body(rowcol_hbm, vals_hbm, btab_hbm, out_hbm,
             btab_v,
             rowcol_a, rows_a, vals_a, pr_a, pi_a,
             rowcol_b, rows_b, vals_b, pr_b, pi_b,
             acc_r, acc_i, sem_a, sem_b, sem_la, sem_lb):
    cid = lax.axis_index("c")
    sid = lax.axis_index("s")
    wid = sid * _NC + cid
    tid = sid

    buf_a = (rowcol_a, rows_a, vals_a, pr_a, pi_a)
    buf_b = (rowcol_b, rows_b, vals_b, pr_b, pi_b)

    pltpu.sync_copy(btab_hbm, btab_v)

    @plsc.parallel_loop(0, _CHUNK // _L, unroll=8)
    def _z(t):
        pr_a[pl.ds(t * _L, _L)] = jnp.zeros((_L,), jnp.float32)
    zbase = tid * (_NROWS // _NS)
    for h in range(_NROWS // _NS // _CHUNK):
        zsl = pl.ds(zbase + h * _CHUNK, _CHUNK)
        pltpu.sync_copy(pr_a, acc_r.at[zsl])
        pltpu.sync_copy(pr_a, acc_i.at[zsl])
    plsc.subcore_barrier()

    def _load_compute(ch, buf, lsem):
        rowcol_v, rows_v, vals_v, pr_v, pi_v = buf
        eoff = pl.multiple_of(wid * _PER_TILE + ch * _CHUNK, _CHUNK)
        pltpu.sync_copy(rowcol_hbm.at[pl.ds(eoff, _CHUNK)], rowcol_v)
        pltpu.sync_copy(vals_hbm.at[pl.ds(eoff, _CHUNK)], vals_v)

        @plsc.parallel_loop(0, _CHUNK // _L, unroll=8)
        def _grp(t):
            sl = pl.ds(t * _L, _L)
            p16 = rowcol_v[sl]
            c16 = p16 & (_K - 1)
            v16 = vals_v[sl]
            br = plsc.load_gather(btab_v, [c16])
            bi = plsc.load_gather(btab_v, [c16 + _K])
            rows_v[sl] = lax.shift_right_logical(p16, 8)
            pr_v[sl] = v16 * br
            pi_v[sl] = v16 * bi

    def _fire(buf, sem):
        _, rows_v, _, pr_v, pi_v = buf
        pltpu.async_copy(pr_v, acc_r.at[rows_v], sem, add=True)
        pltpu.async_copy(pi_v, acc_i.at[rows_v], sem, add=True)

    def _drain(buf, sem):
        _, _, _, pr_v, pi_v = buf
        pltpu.make_async_copy(vals_hbm.at[pl.ds(0, _CHUNK)], pr_v, sem).wait()
        pltpu.make_async_copy(vals_hbm.at[pl.ds(0, _CHUNK)], pi_v, sem).wait()

    _load_compute(0, buf_a, sem_la)
    _fire(buf_a, sem_a)
    _load_compute(1, buf_b, sem_lb)
    _fire(buf_b, sem_b)

    def _pair(k, carry):
        _drain(buf_a, sem_a)
        _load_compute(2 * k + 2, buf_a, sem_la)
        _fire(buf_a, sem_a)
        _drain(buf_b, sem_b)
        _load_compute(2 * k + 3, buf_b, sem_lb)
        _fire(buf_b, sem_b)
        return carry

    lax.fori_loop(0, _CHUNKS_PER_TILE // 2 - 1, _pair, 0)
    _drain(buf_a, sem_a)
    _drain(buf_b, sem_b)
    plsc.subcore_barrier()

    osl = pl.ds(tid * (_NROWS // _NS), _NROWS // _NS)
    pltpu.sync_copy(acc_r.at[osl], out_hbm.at[0, cid, osl])
    pltpu.sync_copy(acc_i.at[osl], out_hbm.at[1, cid, osl])


def _combine_body(p_ref, out_ref):
    a_r = p_ref[0, 0] + p_ref[0, 1]
    a_i = p_ref[1, 0] + p_ref[1, 1]
    mask = (a_r != 0.0).astype(jnp.float32)
    out_ref[0] = a_r * mask
    out_ref[1] = a_i * mask


def kernel(atomic_basis_real, atomic_basis_imag, c_tilde_values, c_tilde_rows, c_tilde_cols):
    nnz = c_tilde_values.shape[0]
    pad = _NP - nnz
    vals = jnp.pad(c_tilde_values, (0, pad))
    rowcol = jnp.pad(
        c_tilde_rows.astype(jnp.int32) * _K + c_tilde_cols.astype(jnp.int32),
        (0, pad))
    btab = jnp.concatenate(
        [atomic_basis_real.reshape(-1), atomic_basis_imag.reshape(-1)]
    )
    mesh = plsc.VectorSubcoreMesh(core_axis_name="c", subcore_axis_name="s")
    chunk_i32 = pltpu.VMEM((_CHUNK,), jnp.int32)
    chunk_f32 = pltpu.VMEM((_CHUNK,), jnp.float32)
    rows_t = pltpu.VMEM((_CHUNK,), jnp.int32)
    partials = pl.kernel(
        _sc_body,
        out_type=jax.ShapeDtypeStruct((2, 2, _NROWS), jnp.float32),
        mesh=mesh,
        compiler_params=pltpu.CompilerParams(needs_layout_passes=False),
        scratch_types=[
            pltpu.VMEM((2 * _K,), jnp.float32),
            rows_t, chunk_i32, chunk_f32, chunk_f32, chunk_f32,
            rows_t, chunk_i32, chunk_f32, chunk_f32, chunk_f32,
            pltpu.VMEM_SHARED((_NROWS,), jnp.float32),
            pltpu.VMEM_SHARED((_NROWS,), jnp.float32),
            pltpu.SemaphoreType.DMA,
            pltpu.SemaphoreType.DMA,
            pltpu.SemaphoreType.DMA,
            pltpu.SemaphoreType.DMA,
        ],
    )(rowcol, vals, btab)

    p4 = partials.reshape(2, 2, _K, _K)
    out = pl.pallas_call(
        _combine_body,
        out_shape=jax.ShapeDtypeStruct((2, _K, _K), jnp.float32),
    )(p4)
    return out

# --- scband reference (transcript-rebuilt; emitter-appended) ---
"""Pipeline reference for scband-tensor-contract-nd-update-sparse-48412871360659 (READ-ONLY COPY).

The authoritative reference and input builder live on the scoring server;
editing this copy changes nothing except your own understanding.
"""

import jax, jax.numpy as jnp
import numpy as np

K = 256
CORR = 3
NROWS = K ** (CORR - 1)  # 65536
NNZ = 1000000


def setup_inputs(seed: int = 0) -> dict:
    key = jax.random.key(seed)
    k1, k2, k3, k4, k5 = jax.random.split(key, 5)
    c_tilde_rows = jax.random.randint(k1, (NNZ,), 0, NROWS, dtype=jnp.int64) if jax.config.jax_enable_x64 else jax.random.randint(k1, (NNZ,), 0, NROWS, dtype=jnp.int32)
    c_tilde_cols = jax.random.randint(k2, (NNZ,), 0, K, dtype=jnp.int32)
    c_tilde_values = jax.random.normal(k3, (NNZ,), dtype=jnp.float32)
    atomic_basis_real = jax.random.normal(k4, (K, 1), dtype=jnp.float32)
    atomic_basis_imag = jax.random.normal(k5, (K, 1), dtype=jnp.float32)
    return {
        "atomic_basis_real": atomic_basis_real,
        "atomic_basis_imag": atomic_basis_imag,
        "c_tilde_values": c_tilde_values,
        "c_tilde_rows": c_tilde_rows,
        "c_tilde_cols": c_tilde_cols,
    }


def _spmm(rows, cols, vals, b, nrows):
    # sparse[nrows, K] @ dense[K, M] via gather + scatter-add
    gathered = vals[:, None] * b[cols]  # [nnz, M]
    return jnp.zeros((nrows, b.shape[1]), dtype=b.dtype).at[rows].add(gathered)


def reference(atomic_basis_real, atomic_basis_imag, c_tilde_values, c_tilde_rows, c_tilde_cols):
    Kdim = atomic_basis_real.shape[0]
    nrows = Kdim ** (CORR - 1)
    out_rows = Kdim ** (CORR - 2)
    # complex_spmm with a single (real) sparse factor: a_r = C @ b_r, a_i = C @ b_i
    a_r = _spmm(c_tilde_rows, c_tilde_cols, c_tilde_values, atomic_basis_real, nrows)
    a_i = _spmm(c_tilde_rows, c_tilde_cols, c_tilde_values, atomic_basis_imag, nrows)
    a_r = a_r.reshape(out_rows, Kdim)
    a_i = a_i.reshape(out_rows, Kdim)
    # mock = C @ ones -> row sums; idx = nonzero(mock) defines the sparsity pattern
    mock = jnp.zeros((nrows,), dtype=c_tilde_values.dtype).at[c_tilde_rows].add(c_tilde_values)
    mask = (mock.reshape(out_rows, Kdim) != 0).astype(a_r.dtype)
    # a_update as densified sparse_coo_tensor(idx, a[idx]) == a * mask
    return jnp.stack([a_r * mask, a_i * mask])

if __name__ == "__main__":
    import jax
    _d = setup_inputs()
    print(jax.jit(kernel)(*tuple(_d.values())))

</pallas_src>

<mosaic_0001>
#map = affine_map<(d0, d1) -> (0)>
#map1 = affine_map<(d0, d1) -> (0, 0, 0)>
module attributes {stable_mosaic.version = 14 : i64} {
  func.func @_sc_body(%arg0: i32, %arg1: i32, %arg2: memref<1048576xi32, #tpu.memory_space<hbm>>, %arg3: memref<1048576xf32, #tpu.memory_space<hbm>>, %arg4: memref<512xf32, #tpu.memory_space<hbm>>, %arg5: memref<2x2x65536xf32, #tpu.memory_space<hbm>>, %arg6: memref<512xf32, #tpu.memory_space<vmem>>, %arg7: memref<2048xi32, #tpu.memory_space<vmem>>, %arg8: memref<2048xi32, #tpu.memory_space<vmem>>, %arg9: memref<2048xf32, #tpu.memory_space<vmem>>, %arg10: memref<2048xf32, #tpu.memory_space<vmem>>, %arg11: memref<2048xf32, #tpu.memory_space<vmem>>, %arg12: memref<2048xi32, #tpu.memory_space<vmem>>, %arg13: memref<2048xi32, #tpu.memory_space<vmem>>, %arg14: memref<2048xf32, #tpu.memory_space<vmem>>, %arg15: memref<2048xf32, #tpu.memory_space<vmem>>, %arg16: memref<2048xf32, #tpu.memory_space<vmem>>, %arg17: memref<65536xf32, #tpu.memory_space<vmem_shared>>, %arg18: memref<65536xf32, #tpu.memory_space<vmem_shared>>, %arg19: memref<!tpu.dma_semaphore, #tpu.memory_space<semaphore_mem>>, %arg20: memref<!tpu.dma_semaphore, #tpu.memory_space<semaphore_mem>>, %arg21: memref<!tpu.dma_semaphore, #tpu.memory_space<semaphore_mem>>, %arg22: memref<!tpu.dma_semaphore, #tpu.memory_space<semaphore_mem>>) attributes {dimension_semantics = [#tpu.dimension_semantics<core_parallel>, #tpu.dimension_semantics<subcore_parallel>], iteration_bounds = array<i64: 2, 16>, scalar_prefetch = 0 : i64, scratch_operands = 17 : i64, tpu.core_type = #tpu.core_type<sc_vector_subcore>, window_params = [{transform_indices = #map}, {transform_indices = #map}, {transform_indices = #map}, {transform_indices = #map1}]} {
    %mul3A = arith.constant 2 : i32
    %mul3A_0 = arith.muli %arg1, %mul3A : i32
    %add3A = arith.addi %mul3A_0, %arg0 : i32
    "tpu.region"() ({
      %run_scoped3A_55 = tpu.sem_alloc : memref<!tpu.dma_semaphore, #tpu.memory_space<semaphore_mem>>
      tpu.enqueue_dma source(%arg4 : memref<512xf32, #tpu.memory_space<hbm>>) target(%arg6 : memref<512xf32, #tpu.memory_space<vmem>>) target_semaphore(%run_scoped3A_55 : memref<!tpu.dma_semaphore, #tpu.memory_space<semaphore_mem>>)
      tpu.wait_dma2 semaphore(%run_scoped3A_55 : memref<!tpu.dma_semaphore, #tpu.memory_space<semaphore_mem>>) src(%arg4 : memref<512xf32, #tpu.memory_space<hbm>>) dst(%arg6 : memref<512xf32, #tpu.memory_space<vmem>>)
      tpu.yield
    }) : () -> ()
    %parallel_loop3A = arith.constant 0 : i32
    %parallel_loop3A_1 = arith.constant 128 : i32
    %parallel_loop3A_2 = arith.constant 1 : i32
    scf.for %parallel_loop3A_55 = %parallel_loop3A to %parallel_loop3A_1 step %parallel_loop3A_2  : i32 {
      %parallel_loop3A_56 = arith.constant 0.000000e+00 : f32
      %parallel_loop3A_57 = vector.broadcast %parallel_loop3A_56 : f32 to vector<16xf32>
      %parallel_loop3A_58 = arith.constant 16 : i32
      %parallel_loop3A_59 = arith.muli %parallel_loop3A_55, %parallel_loop3A_58 : i32
      %parallel_loop3A_60 = arith.index_cast %parallel_loop3A_59 : i32 to index
      %parallel_loop3A_61 = tpu.vector_load %arg10[%parallel_loop3A_60] {strides = array<i32>} : memref<2048xf32, #tpu.memory_space<vmem>>, vector<16xf32>,
      tpu.vector_store %arg10[%parallel_loop3A_60], %parallel_loop3A_57 {strides = array<i32>} : memref<2048xf32, #tpu.memory_space<vmem>>, vector<16xf32>,
    } {sc.loop_unroll_factor = 8 : i64, sc.parallel_access}
    %mul3A_3 = arith.constant 4096 : i32
    %mul3A_4 = arith.muli %arg1, %mul3A_3 : i32
    %add3A_5 = arith.constant 0 : i32
    %add3A_6 = arith.addi %mul3A_4, %add3A_5 : i32
    "tpu.region"() ({
      %run_scoped3A_55 = tpu.sem_alloc : memref<!tpu.dma_semaphore, #tpu.memory_space<semaphore_mem>>
      %dma_start3A_56 = tpu.memref_slice %arg17[%add3A_6] : memref<65536xf32, #tpu.memory_space<vmem_shared>> -> memref<2048xf32, #tpu.memory_space<vmem_shared>>
      %dma_start3A_57 = tpu.memref_slice %arg17[%add3A_6] : memref<65536xf32, #tpu.memory_space<vmem_shared>> -> memref<2048xf32, #tpu.memory_space<vmem_shared>>
      tpu.enqueue_dma source(%arg10 : memref<2048xf32, #tpu.memory_space<vmem>>) target(%dma_start3A_57 : memref<2048xf32, #tpu.memory_space<vmem_shared>>) target_semaphore(%run_scoped3A_55 : memref<!tpu.dma_semaphore, #tpu.memory_space<semaphore_mem>>)
      %dma_wait3A_58 = tpu.memref_slice %arg17[%add3A_6] : memref<65536xf32, #tpu.memory_space<vmem_shared>> -> memref<2048xf32, #tpu.memory_space<vmem_shared>>
      %dma_wait3A_59 = tpu.memref_slice %arg17[%add3A_6] : memref<65536xf32, #tpu.memory_space<vmem_shared>> -> memref<2048xf32, #tpu.memory_space<vmem_shared>>
      tpu.wait_dma2 semaphore(%run_scoped3A_55 : memref<!tpu.dma_semaphore, #tpu.memory_space<semaphore_mem>>) src(%arg10 : memref<2048xf32, #tpu.memory_space<vmem>>) dst(%dma_wait3A_59 : memref<2048xf32, #tpu.memory_space<vmem_shared>>)
      tpu.yield
    }) : () -> ()
    "tpu.region"() ({
      %run_scoped3A_55 = tpu.sem_alloc : memref<!tpu.dma_semaphore, #tpu.memory_space<semaphore_mem>>
      %dma_start3A_56 = tpu.memref_slice %arg18[%add3A_6] : memref<65536xf32, #tpu.memory_space<vmem_shared>> -> memref<2048xf32, #tpu.memory_space<vmem_shared>>
      %dma_start3A_57 = tpu.memref_slice %arg18[%add3A_6] : memref<65536xf32, #tpu.memory_space<vmem_shared>> -> memref<2048xf32, #tpu.memory_space<vmem_shared>>
      tpu.enqueue_dma source(%arg10 : memref<2048xf32, #tpu.memory_space<vmem>>) target(%dma_start3A_57 : memref<2048xf32, #tpu.memory_space<vmem_shared>>) target_semaphore(%run_scoped3A_55 : memref<!tpu.dma_semaphore, #tpu.memory_space<semaphore_mem>>)
      %dma_wait3A_58 = tpu.memref_slice %arg18[%add3A_6] : memref<65536xf32, #tpu.memory_space<vmem_shared>> -> memref<2048xf32, #tpu.memory_space<vmem_shared>>
      %dma_wait3A_59 = tpu.memref_slice %arg18[%add3A_6] : memref<65536xf32, #tpu.memory_space<vmem_shared>> -> memref<2048xf32, #tpu.memory_space<vmem_shared>>
      tpu.wait_dma2 semaphore(%run_scoped3A_55 : memref<!tpu.dma_semaphore, #tpu.memory_space<semaphore_mem>>) src(%arg10 : memref<2048xf32, #tpu.memory_space<vmem>>) dst(%dma_wait3A_59 : memref<2048xf32, #tpu.memory_space<vmem_shared>>)
      tpu.yield
    }) : () -> ()
    %add3A_7 = arith.constant 2048 : i32
    %add3A_8 = arith.addi %mul3A_4, %add3A_7 : i32
    "tpu.region"() ({
      %run_scoped3A_55 = tpu.sem_alloc : memref<!tpu.dma_semaphore, #tpu.memory_space<semaphore_mem>>
      %dma_start3A_56 = tpu.memref_slice %arg17[%add3A_8] : memref<65536xf32, #tpu.memory_space<vmem_shared>> -> memref<2048xf32, #tpu.memory_space<vmem_shared>>
      %dma_start3A_57 = tpu.memref_slice %arg17[%add3A_8] : memref<65536xf32, #tpu.memory_space<vmem_shared>> -> memref<2048xf32, #tpu.memory_space<vmem_shared>>
      tpu.enqueue_dma source(%arg10 : memref<2048xf32, #tpu.memory_space<vmem>>) target(%dma_start3A_57 : memref<2048xf32, #tpu.memory_space<vmem_shared>>) target_semaphore(%run_scoped3A_55 : memref<!tpu.dma_semaphore, #tpu.memory_space<semaphore_mem>>)
      %dma_wait3A_58 = tpu.memref_slice %arg17[%add3A_8] : memref<65536xf32, #tpu.memory_space<vmem_shared>> -> memref<2048xf32, #tpu.memory_space<vmem_shared>>
      %dma_wait3A_59 = tpu.memref_slice %arg17[%add3A_8] : memref<65536xf32, #tpu.memory_space<vmem_shared>> -> memref<2048xf32, #tpu.memory_space<vmem_shared>>
      tpu.wait_dma2 semaphore(%run_scoped3A_55 : memref<!tpu.dma_semaphore, #tpu.memory_space<semaphore_mem>>) src(%arg10 : memref<2048xf32, #tpu.memory_space<vmem>>) dst(%dma_wait3A_59 : memref<2048xf32, #tpu.memory_space<vmem_shared>>)
      tpu.yield
    }) : () -> ()
    "tpu.region"() ({
      %run_scoped3A_55 = tpu.sem_alloc : memref<!tpu.dma_semaphore, #tpu.memory_space<semaphore_mem>>
      %dma_start3A_56 = tpu.memref_slice %arg18[%add3A_8] : memref<65536xf32, #tpu.memory_space<vmem_shared>> -> memref<2048xf32, #tpu.memory_space<vmem_shared>>
      %dma_start3A_57 = tpu.memref_slice %arg18[%add3A_8] : memref<65536xf32, #tpu.memory_space<vmem_shared>> -> memref<2048xf32, #tpu.memory_space<vmem_shared>>
      tpu.enqueue_dma source(%arg10 : memref<2048xf32, #tpu.memory_space<vmem>>) target(%dma_start3A_57 : memref<2048xf32, #tpu.memory_space<vmem_shared>>) target_semaphore(%run_scoped3A_55 : memref<!tpu.dma_semaphore, #tpu.memory_space<semaphore_mem>>)
      %dma_wait3A_58 = tpu.memref_slice %arg18[%add3A_8] : memref<65536xf32, #tpu.memory_space<vmem_shared>> -> memref<2048xf32, #tpu.memory_space<vmem_shared>>
      %dma_wait3A_59 = tpu.memref_slice %arg18[%add3A_8] : memref<65536xf32, #tpu.memory_space<vmem_shared>> -> memref<2048xf32, #tpu.memory_space<vmem_shared>>
      tpu.wait_dma2 semaphore(%run_scoped3A_55 : memref<!tpu.dma_semaphore, #tpu.memory_space<semaphore_mem>>) src(%arg10 : memref<2048xf32, #tpu.memory_space<vmem>>) dst(%dma_wait3A_59 : memref<2048xf32, #tpu.memory_space<vmem_shared>>)
      tpu.yield
    }) : () -> ()
    %barrier3A = arith.constant 0 : index
    tpu.barrier barrier_id(%barrier3A)
    %mul3A_9 = arith.constant 32768 : i32
    %mul3A_10 = arith.muli %add3A, %mul3A_9 : i32
    %add3A_11 = arith.constant 0 : i32
    %add3A_12 = arith.addi %mul3A_10, %add3A_11 : i32
    %multiple_of3A = tpu.assume_multiple %add3A_12, 2048 : i32
    "tpu.region"() ({
      %run_scoped3A_55 = tpu.sem_alloc : memref<!tpu.dma_semaphore, #tpu.memory_space<semaphore_mem>>
      %dma_start3A_56 = tpu.memref_slice %arg2[%multiple_of3A] : memref<1048576xi32, #tpu.memory_space<hbm>> -> memref<2048xi32, #tpu.memory_space<hbm>>
      %dma_start3A_57 = tpu.memref_slice %arg2[%multiple_of3A] : memref<1048576xi32, #tpu.memory_space<hbm>> -> memref<2048xi32, #tpu.memory_space<hbm>>
      tpu.enqueue_dma source(%dma_start3A_57 : memref<2048xi32, #tpu.memory_space<hbm>>) target(%arg7 : memref<2048xi32, #tpu.memory_space<vmem>>) target_semaphore(%run_scoped3A_55 : memref<!tpu.dma_semaphore, #tpu.memory_space<semaphore_mem>>)
      %dma_wait3A_58 = tpu.memref_slice %arg2[%multiple_of3A] : memref<1048576xi32, #tpu.memory_space<hbm>> -> memref<2048xi32, #tpu.memory_space<hbm>>
      %dma_wait3A_59 = tpu.memref_slice %arg2[%multiple_of3A] : memref<1048576xi32, #tpu.memory_space<hbm>> -> memref<2048xi32, #tpu.memory_space<hbm>>
      tpu.wait_dma2 semaphore(%run_scoped3A_55 : memref<!tpu.dma_semaphore, #tpu.memory_space<semaphore_mem>>) src(%dma_wait3A_59 : memref<2048xi32, #tpu.memory_space<hbm>>) dst(%arg7 : memref<2048xi32, #tpu.memory_space<vmem>>)
      tpu.yield
    }) : () -> ()
    "tpu.region"() ({
      %run_scoped3A_55 = tpu.sem_alloc : memref<!tpu.dma_semaphore, #tpu.memory_space<semaphore_mem>>
      %dma_start3A_56 = tpu.memref_slice %arg3[%multiple_of3A] : memref<1048576xf32, #tpu.memory_space<hbm>> -> memref<2048xf32, #tpu.memory_space<hbm>>
      %dma_start3A_57 = tpu.memref_slice %arg3[%multiple_of3A] : memref<1048576xf32, #tpu.memory_space<hbm>> -> memref<2048xf32, #tpu.memory_space<hbm>>
      tpu.enqueue_dma source(%dma_start3A_57 : memref<2048xf32, #tpu.memory_space<hbm>>) target(%arg9 : memref<2048xf32, #tpu.memory_space<vmem>>) target_semaphore(%run_scoped3A_55 : memref<!tpu.dma_semaphore, #tpu.memory_space<semaphore_mem>>)
      %dma_wait3A_58 = tpu.memref_slice %arg3[%multiple_of3A] : memref<1048576xf32, #tpu.memory_space<hbm>> -> memref<2048xf32, #tpu.memory_space<hbm>>
      %dma_wait3A_59 = tpu.memref_slice %arg3[%multiple_of3A] : memref<1048576xf32, #tpu.memory_space<hbm>> -> memref<2048xf32, #tpu.memory_space<hbm>>
      tpu.wait_dma2 semaphore(%run_scoped3A_55 : memref<!tpu.dma_semaphore, #tpu.memory_space<semaphore_mem>>) src(%dma_wait3A_59 : memref<2048xf32, #tpu.memory_space<hbm>>) dst(%arg9 : memref<2048xf32, #tpu.memory_space<vmem>>)
      tpu.yield
    }) : () -> ()
    %parallel_loop3A_13 = arith.constant 0 : i32
    %parallel_loop3A_14 = arith.constant 128 : i32
    %parallel_loop3A_15 = arith.constant 1 : i32
    scf.for %parallel_loop3A_55 = %parallel_loop3A_13 to %parallel_loop3A_14 step %parallel_loop3A_15  : i32 {
      %parallel_loop3A_56 = arith.constant 16 : i32
      %parallel_loop3A_57 = arith.muli %parallel_loop3A_55, %parallel_loop3A_56 : i32
      %parallel_loop3A_58 = arith.index_cast %parallel_loop3A_57 : i32 to index
      %parallel_loop3A_59 = tpu.vector_load %arg7[%parallel_loop3A_58] {strides = array<i32>} : memref<2048xi32, #tpu.memory_space<vmem>>, vector<16xi32>,
      %parallel_loop3A_60 = arith.constant 255 : i32
      %parallel_loop3A_61 = vector.broadcast %parallel_loop3A_60 : i32 to vector<16xi32>
      %parallel_loop3A_62 = arith.andi %parallel_loop3A_59, %parallel_loop3A_61 : vector<16xi32>
      %parallel_loop3A_63 = arith.index_cast %parallel_loop3A_57 : i32 to index
      %parallel_loop3A_64 = tpu.vector_load %arg9[%parallel_loop3A_63] {strides = array<i32>} : memref<2048xf32, #tpu.memory_space<vmem>>, vector<16xf32>,
      %parallel_loop3A_65 = tpu.vector_load_idx %arg6[%parallel_loop3A_62] : memref<512xf32, #tpu.memory_space<vmem>>[vector<16xi32>], vector<16xf32>,
      %parallel_loop3A_66 = arith.constant 256 : i32
      %parallel_loop3A_67 = vector.broadcast %parallel_loop3A_66 : i32 to vector<16xi32>
      %parallel_loop3A_68 = arith.addi %parallel_loop3A_62, %parallel_loop3A_67 : vector<16xi32>
      %parallel_loop3A_69 = tpu.vector_load_idx %arg6[%parallel_loop3A_68] : memref<512xf32, #tpu.memory_space<vmem>>[vector<16xi32>], vector<16xf32>,
      %parallel_loop3A_70 = arith.constant 8 : i32
      %parallel_loop3A_71 = vector.broadcast %parallel_loop3A_70 : i32 to vector<16xi32>
      %parallel_loop3A_72 = arith.shrui %parallel_loop3A_59, %parallel_loop3A_71 : vector<16xi32>
      %parallel_loop3A_73 = arith.index_cast %parallel_loop3A_57 : i32 to index
      %parallel_loop3A_74 = tpu.vector_load %arg8[%parallel_loop3A_73] {strides = array<i32>} : memref<2048xi32, #tpu.memory_space<vmem>>, vector<16xi32>,
      tpu.vector_store %arg8[%parallel_loop3A_73], %parallel_loop3A_72 {strides = array<i32>} : memref<2048xi32, #tpu.memory_space<vmem>>, vector<16xi32>,
      %parallel_loop3A_75 = arith.mulf %parallel_loop3A_64, %parallel_loop3A_65 : vector<16xf32>
      %parallel_loop3A_76 = arith.index_cast %parallel_loop3A_57 : i32 to index
      %parallel_loop3A_77 = tpu.vector_load %arg10[%parallel_loop3A_76] {strides = array<i32>} : memref<2048xf32, #tpu.memory_space<vmem>>, vector<16xf32>,
      tpu.vector_store %arg10[%parallel_loop3A_76], %parallel_loop3A_75 {strides = array<i32>} : memref<2048xf32, #tpu.memory_space<vmem>>, vector<16xf32>,
      %parallel_loop3A_78 = arith.mulf %parallel_loop3A_64, %parallel_loop3A_69 : vector<16xf32>
      %parallel_loop3A_79 = arith.index_cast %parallel_loop3A_57 : i32 to index
      %parallel_loop3A_80 = tpu.vector_load %arg11[%parallel_loop3A_79] {strides = array<i32>} : memref<2048xf32, #tpu.memory_space<vmem>>, vector<16xf32>,
      tpu.vector_store %arg11[%parallel_loop3A_79], %parallel_loop3A_78 {strides = array<i32>} : memref<2048xf32, #tpu.memory_space<vmem>>, vector<16xf32>,
    } {sc.loop_unroll_factor = 8 : i64, sc.parallel_access}
    %dma_start3A = arith.constant 0 : i32
    %dma_start3A_16 = tpu.memref_slice %arg17[%dma_start3A] : memref<65536xf32, #tpu.memory_space<vmem_shared>> -> memref<65536xf32, #tpu.memory_space<vmem_shared>>
    tpu.enqueue_indirect_dma source(%arg10 : memref<2048xf32, #tpu.memory_space<vmem>>) target(%dma_start3A_16 : memref<65536xf32, #tpu.memory_space<vmem_shared>>) offsets(%arg8 : memref<2048xi32, #tpu.memory_space<vmem>>) semaphore(%arg19 : memref<!tpu.dma_semaphore, #tpu.memory_space<semaphore_mem>>) {add = true}
    %dma_start3A_17 = arith.constant 0 : i32
    %dma_start3A_18 = tpu.memref_slice %arg18[%dma_start3A_17] : memref<65536xf32, #tpu.memory_space<vmem_shared>> -> memref<65536xf32, #tpu.memory_space<vmem_shared>>
    tpu.enqueue_indirect_dma source(%arg11 : memref<2048xf32, #tpu.memory_space<vmem>>) target(%dma_start3A_18 : memref<65536xf32, #tpu.memory_space<vmem_shared>>) offsets(%arg8 : memref<2048xi32, #tpu.memory_space<vmem>>) semaphore(%arg19 : memref<!tpu.dma_semaphore, #tpu.memory_space<semaphore_mem>>) {add = true}
    %mul3A_19 = arith.constant 32768 : i32
    %mul3A_20 = arith.muli %add3A, %mul3A_19 : i32
    %add3A_21 = arith.constant 2048 : i32
    %add3A_22 = arith.addi %mul3A_20, %add3A_21 : i32
    %multiple_of3A_23 = tpu.assume_multiple %add3A_22, 2048 : i32
    "tpu.region"() ({
      %run_scoped3A_55 = tpu.sem_alloc : memref<!tpu.dma_semaphore, #tpu.memory_space<semaphore_mem>>
      %dma_start3A_56 = tpu.memref_slice %arg2[%multiple_of3A_23] : memref<1048576xi32, #tpu.memory_space<hbm>> -> memref<2048xi32, #tpu.memory_space<hbm>>
      %dma_start3A_57 = tpu.memref_slice %arg2[%multiple_of3A_23] : memref<1048576xi32, #tpu.memory_space<hbm>> -> memref<2048xi32, #tpu.memory_space<hbm>>
      tpu.enqueue_dma source(%dma_start3A_57 : memref<2048xi32, #tpu.memory_space<hbm>>) target(%arg12 : memref<2048xi32, #tpu.memory_space<vmem>>) target_semaphore(%run_scoped3A_55 : memref<!tpu.dma_semaphore, #tpu.memory_space<semaphore_mem>>)
      %dma_wait3A_58 = tpu.memref_slice %arg2[%multiple_of3A_23] : memref<1048576xi32, #tpu.memory_space<hbm>> -> memref<2048xi32, #tpu.memory_space<hbm>>
      %dma_wait3A_59 = tpu.memref_slice %arg2[%multiple_of3A_23] : memref<1048576xi32, #tpu.memory_space<hbm>> -> memref<2048xi32, #tpu.memory_space<hbm>>
      tpu.wait_dma2 semaphore(%run_scoped3A_55 : memref<!tpu.dma_semaphore, #tpu.memory_space<semaphore_mem>>) src(%dma_wait3A_59 : memref<2048xi32, #tpu.memory_space<hbm>>) dst(%arg12 : memref<2048xi32, #tpu.memory_space<vmem>>)
      tpu.yield
    }) : () -> ()
    "tpu.region"() ({
      %run_scoped3A_55 = tpu.sem_alloc : memref<!tpu.dma_semaphore, #tpu.memory_space<semaphore_mem>>
      %dma_start3A_56 = tpu.memref_slice %arg3[%multiple_of3A_23] : memref<1048576xf32, #tpu.memory_space<hbm>> -> memref<2048xf32, #tpu.memory_space<hbm>>
      %dma_start3A_57 = tpu.memref_slice %arg3[%multiple_of3A_23] : memref<1048576xf32, #tpu.memory_space<hbm>> -> memref<2048xf32, #tpu.memory_space<hbm>>
      tpu.enqueue_dma source(%dma_start3A_57 : memref<2048xf32, #tpu.memory_space<hbm>>) target(%arg14 : memref<2048xf32, #tpu.memory_space<vmem>>) target_semaphore(%run_scoped3A_55 : memref<!tpu.dma_semaphore, #tpu.memory_space<semaphore_mem>>)
      %dma_wait3A_58 = tpu.memref_slice %arg3[%multiple_of3A_23] : memref<1048576xf32, #tpu.memory_space<hbm>> -> memref<2048xf32, #tpu.memory_space<hbm>>
      %dma_wait3A_59 = tpu.memref_slice %arg3[%multiple_of3A_23] : memref<1048576xf32, #tpu.memory_space<hbm>> -> memref<2048xf32, #tpu.memory_space<hbm>>
      tpu.wait_dma2 semaphore(%run_scoped3A_55 : memref<!tpu.dma_semaphore, #tpu.memory_space<semaphore_mem>>) src(%dma_wait3A_59 : memref<2048xf32, #tpu.memory_space<hbm>>) dst(%arg14 : memref<2048xf32, #tpu.memory_space<vmem>>)
      tpu.yield
    }) : () -> ()
    %parallel_loop3A_24 = arith.constant 0 : i32
    %parallel_loop3A_25 = arith.constant 128 : i32
    %parallel_loop3A_26 = arith.constant 1 : i32
    scf.for %parallel_loop3A_55 = %parallel_loop3A_24 to %parallel_loop3A_25 step %parallel_loop3A_26  : i32 {
      %parallel_loop3A_56 = arith.constant 16 : i32
      %parallel_loop3A_57 = arith.muli %parallel_loop3A_55, %parallel_loop3A_56 : i32
      %parallel_loop3A_58 = arith.index_cast %parallel_loop3A_57 : i32 to index
      %parallel_loop3A_59 = tpu.vector_load %arg12[%parallel_loop3A_58] {strides = array<i32>} : memref<2048xi32, #tpu.memory_space<vmem>>, vector<16xi32>,
      %parallel_loop3A_60 = arith.constant 255 : i32
      %parallel_loop3A_61 = vector.broadcast %parallel_loop3A_60 : i32 to vector<16xi32>
      %parallel_loop3A_62 = arith.andi %parallel_loop3A_59, %parallel_loop3A_61 : vector<16xi32>
      %parallel_loop3A_63 = arith.index_cast %parallel_loop3A_57 : i32 to index
      %parallel_loop3A_64 = tpu.vector_load %arg14[%parallel_loop3A_63] {strides = array<i32>} : memref<2048xf32, #tpu.memory_space<vmem>>, vector<16xf32>,
      %parallel_loop3A_65 = tpu.vector_load_idx %arg6[%parallel_loop3A_62] : memref<512xf32, #tpu.memory_space<vmem>>[vector<16xi32>], vector<16xf32>,
      %parallel_loop3A_66 = arith.constant 256 : i32
      %parallel_loop3A_67 = vector.broadcast %parallel_loop3A_66 : i32 to vector<16xi32>
      %parallel_loop3A_68 = arith.addi %parallel_loop3A_62, %parallel_loop3A_67 : vector<16xi32>
      %parallel_loop3A_69 = tpu.vector_load_idx %arg6[%parallel_loop3A_68] : memref<512xf32, #tpu.memory_space<vmem>>[vector<16xi32>], vector<16xf32>,
      %parallel_loop3A_70 = arith.constant 8 : i32
      %parallel_loop3A_71 = vector.broadcast %parallel_loop3A_70 : i32 to vector<16xi32>
      %parallel_loop3A_72 = arith.shrui %parallel_loop3A_59, %parallel_loop3A_71 : vector<16xi32>
      %parallel_loop3A_73 = arith.index_cast %parallel_loop3A_57 : i32 to index
      %parallel_loop3A_74 = tpu.vector_load %arg13[%parallel_loop3A_73] {strides = array<i32>} : memref<2048xi32, #tpu.memory_space<vmem>>, vector<16xi32>,
      tpu.vector_store %arg13[%parallel_loop3A_73], %parallel_loop3A_72 {strides = array<i32>} : memref<2048xi32, #tpu.memory_space<vmem>>, vector<16xi32>,
      %parallel_loop3A_75 = arith.mulf %parallel_loop3A_64, %parallel_loop3A_65 : vector<16xf32>
      %parallel_loop3A_76 = arith.index_cast %parallel_loop3A_57 : i32 to index
      %parallel_loop3A_77 = tpu.vector_load %arg15[%parallel_loop3A_76] {strides = array<i32>} : memref<2048xf32, #tpu.memory_space<vmem>>, vector<16xf32>,
      tpu.vector_store %arg15[%parallel_loop3A_76], %parallel_loop3A_75 {strides = array<i32>} : memref<2048xf32, #tpu.memory_space<vmem>>, vector<16xf32>,
      %parallel_loop3A_78 = arith.mulf %parallel_loop3A_64, %parallel_loop3A_69 : vector<16xf32>
      %parallel_loop3A_79 = arith.index_cast %parallel_loop3A_57 : i32 to index
      %parallel_loop3A_80 = tpu.vector_load %arg16[%parallel_loop3A_79] {strides = array<i32>} : memref<2048xf32, #tpu.memory_space<vmem>>, vector<16xf32>,
      tpu.vector_store %arg16[%parallel_loop3A_79], %parallel_loop3A_78 {strides = array<i32>} : memref<2048xf32, #tpu.memory_space<vmem>>, vector<16xf32>,
    } {sc.loop_unroll_factor = 8 : i64, sc.parallel_access}
    %dma_start3A_27 = arith.constant 0 : i32
    %dma_start3A_28 = tpu.memref_slice %arg17[%dma_start3A_27] : memref<65536xf32, #tpu.memory_space<vmem_shared>> -> memref<65536xf32, #tpu.memory_space<vmem_shared>>
    tpu.enqueue_indirect_dma source(%arg15 : memref<2048xf32, #tpu.memory_space<vmem>>) target(%dma_start3A_28 : memref<65536xf32, #tpu.memory_space<vmem_shared>>) offsets(%arg13 : memref<2048xi32, #tpu.memory_space<vmem>>) semaphore(%arg20 : memref<!tpu.dma_semaphore, #tpu.memory_space<semaphore_mem>>) {add = true}
    %dma_start3A_29 = arith.constant 0 : i32
    %dma_start3A_30 = tpu.memref_slice %arg18[%dma_start3A_29] : memref<65536xf32, #tpu.memory_space<vmem_shared>> -> memref<65536xf32, #tpu.memory_space<vmem_shared>>
    tpu.enqueue_indirect_dma source(%arg16 : memref<2048xf32, #tpu.memory_space<vmem>>) target(%dma_start3A_30 : memref<65536xf32, #tpu.memory_space<vmem_shared>>) offsets(%arg13 : memref<2048xi32, #tpu.memory_space<vmem>>) semaphore(%arg20 : memref<!tpu.dma_semaphore, #tpu.memory_space<semaphore_mem>>) {add = true}
    %scan3A = arith.constant 0 : i32
    %scan3A_31 = arith.constant 0 : i32
    %scan3A_32 = arith.constant 7 : i32
    %scan3A_33 = arith.addi %scan3A_31, %scan3A_32 : i32
    %scan3A_34 = arith.constant 1 : i32
    scf.for %scan3A_55 = %scan3A_31 to %scan3A_33 step %scan3A_34  : i32 {
      %dma_wait3A_56 = arith.constant 0 : i32
      %dma_wait3A_57 = tpu.memref_slice %arg3[%dma_wait3A_56] : memref<1048576xf32, #tpu.memory_space<hbm>> -> memref<2048xf32, #tpu.memory_space<hbm>>
      %dma_wait3A_58 = arith.constant 0 : i32
      %dma_wait3A_59 = tpu.memref_slice %arg3[%dma_wait3A_58] : memref<1048576xf32, #tpu.memory_space<hbm>> -> memref<2048xf32, #tpu.memory_space<hbm>>
      tpu.wait_dma2 semaphore(%arg19 : memref<!tpu.dma_semaphore, #tpu.memory_space<semaphore_mem>>) src(%dma_wait3A_59 : memref<2048xf32, #tpu.memory_space<hbm>>) dst(%arg10 : memref<2048xf32, #tpu.memory_space<vmem>>)
      %dma_wait3A_60 = arith.constant 0 : i32
      %dma_wait3A_61 = tpu.memref_slice %arg3[%dma_wait3A_60] : memref<1048576xf32, #tpu.memory_space<hbm>> -> memref<2048xf32, #tpu.memory_space<hbm>>
      %dma_wait3A_62 = arith.constant 0 : i32
      %dma_wait3A_63 = tpu.memref_slice %arg3[%dma_wait3A_62] : memref<1048576xf32, #tpu.memory_space<hbm>> -> memref<2048xf32, #tpu.memory_space<hbm>>
      tpu.wait_dma2 semaphore(%arg19 : memref<!tpu.dma_semaphore, #tpu.memory_space<semaphore_mem>>) src(%dma_wait3A_63 : memref<2048xf32, #tpu.memory_space<hbm>>) dst(%arg11 : memref<2048xf32, #tpu.memory_space<vmem>>)
      %mul3A_64 = arith.constant 2 : i32
      %mul3A_65 = arith.muli %mul3A_64, %scan3A_55 : i32
      %add3A_66 = arith.constant 2 : i32
      %add3A_67 = arith.addi %mul3A_65, %add3A_66 : i32
      %mul3A_68 = arith.constant 32768 : i32
      %mul3A_69 = arith.muli %add3A, %mul3A_68 : i32
      %mul3A_70 = arith.constant 2048 : i32
      %mul3A_71 = arith.muli %add3A_67, %mul3A_70 : i32
      %add3A_72 = arith.addi %mul3A_69, %mul3A_71 : i32
      %multiple_of3A_73 = tpu.assume_multiple %add3A_72, 2048 : i32
      "tpu.region"() ({
        %run_scoped3A_106 = tpu.sem_alloc : memref<!tpu.dma_semaphore, #tpu.memory_space<semaphore_mem>>
        %dma_start3A_107 = tpu.memref_slice %arg2[%multiple_of3A_73] : memref<1048576xi32, #tpu.memory_space<hbm>> -> memref<2048xi32, #tpu.memory_space<hbm>>
        %dma_start3A_108 = tpu.memref_slice %arg2[%multiple_of3A_73] : memref<1048576xi32, #tpu.memory_space<hbm>> -> memref<2048xi32, #tpu.memory_space<hbm>>
        tpu.enqueue_dma source(%dma_start3A_108 : memref<2048xi32, #tpu.memory_space<hbm>>) target(%arg7 : memref<2048xi32, #tpu.memory_space<vmem>>) target_semaphore(%run_scoped3A_106 : memref<!tpu.dma_semaphore, #tpu.memory_space<semaphore_mem>>)
        %dma_wait3A_109 = tpu.memref_slice %arg2[%multiple_of3A_73] : memref<1048576xi32, #tpu.memory_space<hbm>> -> memref<2048xi32, #tpu.memory_space<hbm>>
        %dma_wait3A_110 = tpu.memref_slice %arg2[%multiple_of3A_73] : memref<1048576xi32, #tpu.memory_space<hbm>> -> memref<2048xi32, #tpu.memory_space<hbm>>
        tpu.wait_dma2 semaphore(%run_scoped3A_106 : memref<!tpu.dma_semaphore, #tpu.memory_space<semaphore_mem>>) src(%dma_wait3A_110 : memref<2048xi32, #tpu.memory_space<hbm>>) dst(%arg7 : memref<2048xi32, #tpu.memory_space<vmem>>)
        tpu.yield
      }) : () -> ()
      "tpu.region"() ({
        %run_scoped3A_106 = tpu.sem_alloc : memref<!tpu.dma_semaphore, #tpu.memory_space<semaphore_mem>>
        %dma_start3A_107 = tpu.memref_slice %arg3[%multiple_of3A_73] : memref<1048576xf32, #tpu.memory_space<hbm>> -> memref<2048xf32, #tpu.memory_space<hbm>>
        %dma_start3A_108 = tpu.memref_slice %arg3[%multiple_of3A_73] : memref<1048576xf32, #tpu.memory_space<hbm>> -> memref<2048xf32, #tpu.memory_space<hbm>>
        tpu.enqueue_dma source(%dma_start3A_108 : memref<2048xf32, #tpu.memory_space<hbm>>) target(%arg9 : memref<2048xf32, #tpu.memory_space<vmem>>) target_semaphore(%run_scoped3A_106 : memref<!tpu.dma_semaphore, #tpu.memory_space<semaphore_mem>>)
        %dma_wait3A_109 = tpu.memref_slice %arg3[%multiple_of3A_73] : memref<1048576xf32, #tpu.memory_space<hbm>> -> memref<2048xf32, #tpu.memory_space<hbm>>
        %dma_wait3A_110 = tpu.memref_slice %arg3[%multiple_of3A_73] : memref<1048576xf32, #tpu.memory_space<hbm>> -> memref<2048xf32, #tpu.memory_space<hbm>>
        tpu.wait_dma2 semaphore(%run_scoped3A_106 : memref<!tpu.dma_semaphore, #tpu.memory_space<semaphore_mem>>) src(%dma_wait3A_110 : memref<2048xf32, #tpu.memory_space<hbm>>) dst(%arg9 : memref<2048xf32, #tpu.memory_space<vmem>>)
        tpu.yield
      }) : () -> ()
      %parallel_loop3A_74 = arith.constant 0 : i32
      %parallel_loop3A_75 = arith.constant 128 : i32
      %parallel_loop3A_76 = arith.constant 1 : i32
      scf.for %parallel_loop3A_106 = %parallel_loop3A_74 to %parallel_loop3A_75 step %parallel_loop3A_76  : i32 {
        %parallel_loop3A_107 = arith.constant 16 : i32
        %parallel_loop3A_108 = arith.muli %parallel_loop3A_106, %parallel_loop3A_107 : i32
        %parallel_loop3A_109 = arith.index_cast %parallel_loop3A_108 : i32 to index
        %parallel_loop3A_110 = tpu.vector_load %arg7[%parallel_loop3A_109] {strides = array<i32>} : memref<2048xi32, #tpu.memory_space<vmem>>, vector<16xi32>,
        %parallel_loop3A_111 = arith.constant 255 : i32
        %parallel_loop3A_112 = vector.broadcast %parallel_loop3A_111 : i32 to vector<16xi32>
        %parallel_loop3A_113 = arith.andi %parallel_loop3A_110, %parallel_loop3A_112 : vector<16xi32>
        %parallel_loop3A_114 = arith.index_cast %parallel_loop3A_108 : i32 to index
        %parallel_loop3A_115 = tpu.vector_load %arg9[%parallel_loop3A_114] {strides = array<i32>} : memref<2048xf32, #tpu.memory_space<vmem>>, vector<16xf32>,
        %parallel_loop3A_116 = tpu.vector_load_idx %arg6[%parallel_loop3A_113] : memref<512xf32, #tpu.memory_space<vmem>>[vector<16xi32>], vector<16xf32>,
        %parallel_loop3A_117 = arith.constant 256 : i32
        %parallel_loop3A_118 = vector.broadcast %parallel_loop3A_117 : i32 to vector<16xi32>
        %parallel_loop3A_119 = arith.addi %parallel_loop3A_113, %parallel_loop3A_118 : vector<16xi32>
        %parallel_loop3A_120 = tpu.vector_load_idx %arg6[%parallel_loop3A_119] : memref<512xf32, #tpu.memory_space<vmem>>[vector<16xi32>], vector<16xf32>,
        %parallel_loop3A_121 = arith.constant 8 : i32
        %parallel_loop3A_122 = vector.broadcast %parallel_loop3A_121 : i32 to vector<16xi32>
        %parallel_loop3A_123 = arith.shrui %parallel_loop3A_110, %parallel_loop3A_122 : vector<16xi32>
        %parallel_loop3A_124 = arith.index_cast %parallel_loop3A_108 : i32 to index
        %parallel_loop3A_125 = tpu.vector_load %arg8[%parallel_loop3A_124] {strides = array<i32>} : memref<2048xi32, #tpu.memory_space<vmem>>, vector<16xi32>,
        tpu.vector_store %arg8[%parallel_loop3A_124], %parallel_loop3A_123 {strides = array<i32>} : memref<2048xi32, #tpu.memory_space<vmem>>, vector<16xi32>,
        %parallel_loop3A_126 = arith.mulf %parallel_loop3A_115, %parallel_loop3A_116 : vector<16xf32>
        %parallel_loop3A_127 = arith.index_cast %parallel_loop3A_108 : i32 to index
        %parallel_loop3A_128 = tpu.vector_load %arg10[%parallel_loop3A_127] {strides = array<i32>} : memref<2048xf32, #tpu.memory_space<vmem>>, vector<16xf32>,
        tpu.vector_store %arg10[%parallel_loop3A_127], %parallel_loop3A_126 {strides = array<i32>} : memref<2048xf32, #tpu.memory_space<vmem>>, vector<16xf32>,
        %parallel_loop3A_129 = arith.mulf %parallel_loop3A_115, %parallel_loop3A_120 : vector<16xf32>
        %parallel_loop3A_130 = arith.index_cast %parallel_loop3A_108 : i32 to index
        %parallel_loop3A_131 = tpu.vector_load %arg11[%parallel_loop3A_130] {strides = array<i32>} : memref<2048xf32, #tpu.memory_space<vmem>>, vector<16xf32>,
        tpu.vector_store %arg11[%parallel_loop3A_130], %parallel_loop3A_129 {strides = array<i32>} : memref<2048xf32, #tpu.memory_space<vmem>>, vector<16xf32>,
      } {sc.loop_unroll_factor = 8 : i64, sc.parallel_access}
      %dma_start3A_77 = arith.constant 0 : i32
      %dma_start3A_78 = tpu.memref_slice %arg17[%dma_start3A_77] : memref<65536xf32, #tpu.memory_space<vmem_shared>> -> memref<65536xf32, #tpu.memory_space<vmem_shared>>
      tpu.enqueue_indirect_dma source(%arg10 : memref<2048xf32, #tpu.memory_space<vmem>>) target(%dma_start3A_78 : memref<65536xf32, #tpu.memory_space<vmem_shared>>) offsets(%arg8 : memref<2048xi32, #tpu.memory_space<vmem>>) semaphore(%arg19 : memref<!tpu.dma_semaphore, #tpu.memory_space<semaphore_mem>>) {add = true}
      %dma_start3A_79 = arith.constant 0 : i32
      %dma_start3A_80 = tpu.memref_slice %arg18[%dma_start3A_79] : memref<65536xf32, #tpu.memory_space<vmem_shared>> -> memref<65536xf32, #tpu.memory_space<vmem_shared>>
      tpu.enqueue_indirect_dma source(%arg11 : memref<2048xf32, #tpu.memory_space<vmem>>) target(%dma_start3A_80 : memref<65536xf32, #tpu.memory_space<vmem_shared>>) offsets(%arg8 : memref<2048xi32, #tpu.memory_space<vmem>>) semaphore(%arg19 : memref<!tpu.dma_semaphore, #tpu.memory_space<semaphore_mem>>) {add = true}
      %dma_wait3A_81 = arith.constant 0 : i32
      %dma_wait3A_82 = tpu.memref_slice %arg3[%dma_wait3A_81] : memref<1048576xf32, #tpu.memory_space<hbm>> -> memref<2048xf32, #tpu.memory_space<hbm>>
      %dma_wait3A_83 = arith.constant 0 : i32
      %dma_wait3A_84 = tpu.memref_slice %arg3[%dma_wait3A_83] : memref<1048576xf32, #tpu.memory_space<hbm>> -> memref<2048xf32, #tpu.memory_space<hbm>>
      tpu.wait_dma2 semaphore(%arg20 : memref<!tpu.dma_semaphore, #tpu.memory_space<semaphore_mem>>) src(%dma_wait3A_84 : memref<2048xf32, #tpu.memory_space<hbm>>) dst(%arg15 : memref<2048xf32, #tpu.memory_space<vmem>>)
      %dma_wait3A_85 = arith.constant 0 : i32
      %dma_wait3A_86 = tpu.memref_slice %arg3[%dma_wait3A_85] : memref<1048576xf32, #tpu.memory_space<hbm>> -> memref<2048xf32, #tpu.memory_space<hbm>>
      %dma_wait3A_87 = arith.constant 0 : i32
      %dma_wait3A_88 = tpu.memref_slice %arg3[%dma_wait3A_87] : memref<1048576xf32, #tpu.memory_space<hbm>> -> memref<2048xf32, #tpu.memory_space<hbm>>
      tpu.wait_dma2 semaphore(%arg20 : memref<!tpu.dma_semaphore, #tpu.memory_space<semaphore_mem>>) src(%dma_wait3A_88 : memref<2048xf32, #tpu.memory_space<hbm>>) dst(%arg16 : memref<2048xf32, #tpu.memory_space<vmem>>)
      %mul3A_89 = arith.constant 2 : i32
      %mul3A_90 = arith.muli %mul3A_89, %scan3A_55 : i32
      %add3A_91 = arith.constant 3 : i32
      %add3A_92 = arith.addi %mul3A_90, %add3A_91 : i32
      %mul3A_93 = arith.constant 32768 : i32
      %mul3A_94 = arith.muli %add3A, %mul3A_93 : i32
      %mul3A_95 = arith.constant 2048 : i32
      %mul3A_96 = arith.muli %add3A_92, %mul3A_95 : i32
      %add3A_97 = arith.addi %mul3A_94, %mul3A_96 : i32
      %multiple_of3A_98 = tpu.assume_multiple %add3A_97, 2048 : i32
      "tpu.region"() ({
        %run_scoped3A_106 = tpu.sem_alloc : memref<!tpu.dma_semaphore, #tpu.memory_space<semaphore_mem>>
        %dma_start3A_107 = tpu.memref_slice %arg2[%multiple_of3A_98] : memref<1048576xi32, #tpu.memory_space<hbm>> -> memref<2048xi32, #tpu.memory_space<hbm>>
        %dma_start3A_108 = tpu.memref_slice %arg2[%multiple_of3A_98] : memref<1048576xi32, #tpu.memory_space<hbm>> -> memref<2048xi32, #tpu.memory_space<hbm>>
        tpu.enqueue_dma source(%dma_start3A_108 : memref<2048xi32, #tpu.memory_space<hbm>>) target(%arg12 : memref<2048xi32, #tpu.memory_space<vmem>>) target_semaphore(%run_scoped3A_106 : memref<!tpu.dma_semaphore, #tpu.memory_space<semaphore_mem>>)
        %dma_wait3A_109 = tpu.memref_slice %arg2[%multiple_of3A_98] : memref<1048576xi32, #tpu.memory_space<hbm>> -> memref<2048xi32, #tpu.memory_space<hbm>>
        %dma_wait3A_110 = tpu.memref_slice %arg2[%multiple_of3A_98] : memref<1048576xi32, #tpu.memory_space<hbm>> -> memref<2048xi32, #tpu.memory_space<hbm>>
        tpu.wait_dma2 semaphore(%run_scoped3A_106 : memref<!tpu.dma_semaphore, #tpu.memory_space<semaphore_mem>>) src(%dma_wait3A_110 : memref<2048xi32, #tpu.memory_space<hbm>>) dst(%arg12 : memref<2048xi32, #tpu.memory_space<vmem>>)
        tpu.yield
      }) : () -> ()
      "tpu.region"() ({
        %run_scoped3A_106 = tpu.sem_alloc : memref<!tpu.dma_semaphore, #tpu.memory_space<semaphore_mem>>
        %dma_start3A_107 = tpu.memref_slice %arg3[%multiple_of3A_98] : memref<1048576xf32, #tpu.memory_space<hbm>> -> memref<2048xf32, #tpu.memory_space<hbm>>
        %dma_start3A_108 = tpu.memref_slice %arg3[%multiple_of3A_98] : memref<1048576xf32, #tpu.memory_space<hbm>> -> memref<2048xf32, #tpu.memory_space<hbm>>
        tpu.enqueue_dma source(%dma_start3A_108 : memref<2048xf32, #tpu.memory_space<hbm>>) target(%arg14 : memref<2048xf32, #tpu.memory_space<vmem>>) target_semaphore(%run_scoped3A_106 : memref<!tpu.dma_semaphore, #tpu.memory_space<semaphore_mem>>)
        %dma_wait3A_109 = tpu.memref_slice %arg3[%multiple_of3A_98] : memref<1048576xf32, #tpu.memory_space<hbm>> -> memref<2048xf32, #tpu.memory_space<hbm>>
        %dma_wait3A_110 = tpu.memref_slice %arg3[%multiple_of3A_98] : memref<1048576xf32, #tpu.memory_space<hbm>> -> memref<2048xf32, #tpu.memory_space<hbm>>
        tpu.wait_dma2 semaphore(%run_scoped3A_106 : memref<!tpu.dma_semaphore, #tpu.memory_space<semaphore_mem>>) src(%dma_wait3A_110 : memref<2048xf32, #tpu.memory_space<hbm>>) dst(%arg14 : memref<2048xf32, #tpu.memory_space<vmem>>)
        tpu.yield
      }) : () -> ()
      %parallel_loop3A_99 = arith.constant 0 : i32
      %parallel_loop3A_100 = arith.constant 128 : i32
      %parallel_loop3A_101 = arith.constant 1 : i32
      scf.for %parallel_loop3A_106 = %parallel_loop3A_99 to %parallel_loop3A_100 step %parallel_loop3A_101  : i32 {
        %parallel_loop3A_107 = arith.constant 16 : i32
        %parallel_loop3A_108 = arith.muli %parallel_loop3A_106, %parallel_loop3A_107 : i32
        %parallel_loop3A_109 = arith.index_cast %parallel_loop3A_108 : i32 to index
        %parallel_loop3A_110 = tpu.vector_load %arg12[%parallel_loop3A_109] {strides = array<i32>} : memref<2048xi32, #tpu.memory_space<vmem>>, vector<16xi32>,
        %parallel_loop3A_111 = arith.constant 255 : i32
        %parallel_loop3A_112 = vector.broadcast %parallel_loop3A_111 : i32 to vector<16xi32>
        %parallel_loop3A_113 = arith.andi %parallel_loop3A_110, %parallel_loop3A_112 : vector<16xi32>
        %parallel_loop3A_114 = arith.index_cast %parallel_loop3A_108 : i32 to index
        %parallel_loop3A_115 = tpu.vector_load %arg14[%parallel_loop3A_114] {strides = array<i32>} : memref<2048xf32, #tpu.memory_space<vmem>>, vector<16xf32>,
        %parallel_loop3A_116 = tpu.vector_load_idx %arg6[%parallel_loop3A_113] : memref<512xf32, #tpu.memory_space<vmem>>[vector<16xi32>], vector<16xf32>,
        %parallel_loop3A_117 = arith.constant 256 : i32
        %parallel_loop3A_118 = vector.broadcast %parallel_loop3A_117 : i32 to vector<16xi32>
        %parallel_loop3A_119 = arith.addi %parallel_loop3A_113, %parallel_loop3A_118 : vector<16xi32>
        %parallel_loop3A_120 = tpu.vector_load_idx %arg6[%parallel_loop3A_119] : memref<512xf32, #tpu.memory_space<vmem>>[vector<16xi32>], vector<16xf32>,
        %parallel_loop3A_121 = arith.constant 8 : i32
        %parallel_loop3A_122 = vector.broadcast %parallel_loop3A_121 : i32 to vector<16xi32>
        %parallel_loop3A_123 = arith.shrui %parallel_loop3A_110, %parallel_loop3A_122 : vector<16xi32>
        %parallel_loop3A_124 = arith.index_cast %parallel_loop3A_108 : i32 to index
        %parallel_loop3A_125 = tpu.vector_load %arg13[%parallel_loop3A_124] {strides = array<i32>} : memref<2048xi32, #tpu.memory_space<vmem>>, vector<16xi32>,
        tpu.vector_store %arg13[%parallel_loop3A_124], %parallel_loop3A_123 {strides = array<i32>} : memref<2048xi32, #tpu.memory_space<vmem>>, vector<16xi32>,
        %parallel_loop3A_126 = arith.mulf %parallel_loop3A_115, %parallel_loop3A_116 : vector<16xf32>
        %parallel_loop3A_127 = arith.index_cast %parallel_loop3A_108 : i32 to index
        %parallel_loop3A_128 = tpu.vector_load %arg15[%parallel_loop3A_127] {strides = array<i32>} : memref<2048xf32, #tpu.memory_space<vmem>>, vector<16xf32>,
        tpu.vector_store %arg15[%parallel_loop3A_127], %parallel_loop3A_126 {strides = array<i32>} : memref<2048xf32, #tpu.memory_space<vmem>>, vector<16xf32>,
        %parallel_loop3A_129 = arith.mulf %parallel_loop3A_115, %parallel_loop3A_120 : vector<16xf32>
        %parallel_loop3A_130 = arith.index_cast %parallel_loop3A_108 : i32 to index
        %parallel_loop3A_131 = tpu.vector_load %arg16[%parallel_loop3A_130] {strides = array<i32>} : memref<2048xf32, #tpu.memory_space<vmem>>, vector<16xf32>,
        tpu.vector_store %arg16[%parallel_loop3A_130], %parallel_loop3A_129 {strides = array<i32>} : memref<2048xf32, #tpu.memory_space<vmem>>, vector<16xf32>,
      } {sc.loop_unroll_factor = 8 : i64, sc.parallel_access}
      %dma_start3A_102 = arith.constant 0 : i32
      %dma_start3A_103 = tpu.memref_slice %arg17[%dma_start3A_102] : memref<65536xf32, #tpu.memory_space<vmem_shared>> -> memref<65536xf32, #tpu.memory_space<vmem_shared>>
      tpu.enqueue_indirect_dma source(%arg15 : memref<2048xf32, #tpu.memory_space<vmem>>) target(%dma_start3A_103 : memref<65536xf32, #tpu.memory_space<vmem_shared>>) offsets(%arg13 : memref<2048xi32, #tpu.memory_space<vmem>>) semaphore(%arg20 : memref<!tpu.dma_semaphore, #tpu.memory_space<semaphore_mem>>) {add = true}
      %dma_start3A_104 = arith.constant 0 : i32
      %dma_start3A_105 = tpu.memref_slice %arg18[%dma_start3A_104] : memref<65536xf32, #tpu.memory_space<vmem_shared>> -> memref<65536xf32, #tpu.memory_space<vmem_shared>>
      tpu.enqueue_indirect_dma source(%arg16 : memref<2048xf32, #tpu.memory_space<vmem>>) target(%dma_start3A_105 : memref<65536xf32, #tpu.memory_space<vmem_shared>>) offsets(%arg13 : memref<2048xi32, #tpu.memory_space<vmem>>) semaphore(%arg20 : memref<!tpu.dma_semaphore, #tpu.memory_space<semaphore_mem>>) {add = true}
    }
    %scan3A_35 = arith.constant 7 : i32
    %dma_wait3A = arith.constant 0 : i32
    %dma_wait3A_36 = tpu.memref_slice %arg3[%dma_wait3A] : memref<1048576xf32, #tpu.memory_space<hbm>> -> memref<2048xf32, #tpu.memory_space<hbm>>
    %dma_wait3A_37 = arith.constant 0 : i32
    %dma_wait3A_38 = tpu.memref_slice %arg3[%dma_wait3A_37] : memref<1048576xf32, #tpu.memory_space<hbm>> -> memref<2048xf32, #tpu.memory_space<hbm>>
    tpu.wait_dma2 semaphore(%arg19 : memref<!tpu.dma_semaphore, #tpu.memory_space<semaphore_mem>>) src(%dma_wait3A_38 : memref<2048xf32, #tpu.memory_space<hbm>>) dst(%arg10 : memref<2048xf32, #tpu.memory_space<vmem>>)
    %dma_wait3A_39 = arith.constant 0 : i32
    %dma_wait3A_40 = tpu.memref_slice %arg3[%dma_wait3A_39] : memref<1048576xf32, #tpu.memory_space<hbm>> -> memref<2048xf32, #tpu.memory_space<hbm>>
    %dma_wait3A_41 = arith.constant 0 : i32
    %dma_wait3A_42 = tpu.memref_slice %arg3[%dma_wait3A_41] : memref<1048576xf32, #tpu.memory_space<hbm>> -> memref<2048xf32, #tpu.memory_space<hbm>>
    tpu.wait_dma2 semaphore(%arg19 : memref<!tpu.dma_semaphore, #tpu.memory_space<semaphore_mem>>) src(%dma_wait3A_42 : memref<2048xf32, #tpu.memory_space<hbm>>) dst(%arg11 : memref<2048xf32, #tpu.memory_space<vmem>>)
    %dma_wait3A_43 = arith.constant 0 : i32
    %dma_wait3A_44 = tpu.memref_slice %arg3[%dma_wait3A_43] : memref<1048576xf32, #tpu.memory_space<hbm>> -> memref<2048xf32, #tpu.memory_space<hbm>>
    %dma_wait3A_45 = arith.constant 0 : i32
    %dma_wait3A_46 = tpu.memref_slice %arg3[%dma_wait3A_45] : memref<1048576xf32, #tpu.memory_space<hbm>> -> memref<2048xf32, #tpu.memory_space<hbm>>
    tpu.wait_dma2 semaphore(%arg20 : memref<!tpu.dma_semaphore, #tpu.memory_space<semaphore_mem>>) src(%dma_wait3A_46 : memref<2048xf32, #tpu.memory_space<hbm>>) dst(%arg15 : memref<2048xf32, #tpu.memory_space<vmem>>)
    %dma_wait3A_47 = arith.constant 0 : i32
    %dma_wait3A_48 = tpu.memref_slice %arg3[%dma_wait3A_47] : memref<1048576xf32, #tpu.memory_space<hbm>> -> memref<2048xf32, #tpu.memory_space<hbm>>
    %dma_wait3A_49 = arith.constant 0 : i32
    %dma_wait3A_50 = tpu.memref_slice %arg3[%dma_wait3A_49] : memref<1048576xf32, #tpu.memory_space<hbm>> -> memref<2048xf32, #tpu.memory_space<hbm>>
    tpu.wait_dma2 semaphore(%arg20 : memref<!tpu.dma_semaphore, #tpu.memory_space<semaphore_mem>>) src(%dma_wait3A_50 : memref<2048xf32, #tpu.memory_space<hbm>>) dst(%arg16 : memref<2048xf32, #tpu.memory_space<vmem>>)
    %barrier3A_51 = arith.constant 0 : index
    tpu.barrier barrier_id(%barrier3A_51)
    %mul3A_52 = arith.constant 4096 : i32
    %mul3A_53 = arith.muli %arg1, %mul3A_52 : i32
    %run_scoped3A = arith.constant 0 : i32
    "tpu.region"() ({
      %run_scoped3A_55 = tpu.sem_alloc : memref<!tpu.dma_semaphore, #tpu.memory_space<semaphore_mem>>
      %dma_start3A_56 = tpu.memref_slice %arg5[%run_scoped3A, %arg0, %mul3A_53] : memref<2x2x65536xf32, #tpu.memory_space<hbm>> -> memref<1x1x4096xf32, #tpu.memory_space<hbm>>
      %dma_start3A_57 = tpu.memref_squeeze %dma_start3A_56 : memref<1x1x4096xf32, #tpu.memory_space<hbm>> -> memref<4096xf32, #tpu.memory_space<hbm>>
      %dma_start3A_58 = tpu.memref_slice %arg17[%mul3A_53] : memref<65536xf32, #tpu.memory_space<vmem_shared>> -> memref<4096xf32, #tpu.memory_space<vmem_shared>>
      tpu.enqueue_dma source(%dma_start3A_58 : memref<4096xf32, #tpu.memory_space<vmem_shared>>) target(%dma_start3A_57 : memref<4096xf32, #tpu.memory_space<hbm>>) target_semaphore(%run_scoped3A_55 : memref<!tpu.dma_semaphore, #tpu.memory_space<semaphore_mem>>)
      %dma_wait3A_59 = tpu.memref_slice %arg5[%run_scoped3A, %arg0, %mul3A_53] : memref<2x2x65536xf32, #tpu.memory_space<hbm>> -> memref<1x1x4096xf32, #tpu.memory_space<hbm>>
      %dma_wait3A_60 = tpu.memref_squeeze %dma_wait3A_59 : memref<1x1x4096xf32, #tpu.memory_space<hbm>> -> memref<4096xf32, #tpu.memory_space<hbm>>
      %dma_wait3A_61 = tpu.memref_slice %arg17[%mul3A_53] : memref<65536xf32, #tpu.memory_space<vmem_shared>> -> memref<4096xf32, #tpu.memory_space<vmem_shared>>
      tpu.wait_dma2 semaphore(%run_scoped3A_55 : memref<!tpu.dma_semaphore, #tpu.memory_space<semaphore_mem>>) src(%dma_wait3A_61 : memref<4096xf32, #tpu.memory_space<vmem_shared>>) dst(%dma_wait3A_60 : memref<4096xf32, #tpu.memory_space<hbm>>)
      tpu.yield
    }) : () -> ()
    %run_scoped3A_54 = arith.constant 1 : i32
    "tpu.region"() ({
      %run_scoped3A_55 = tpu.sem_alloc : memref<!tpu.dma_semaphore, #tpu.memory_space<semaphore_mem>>
      %dma_start3A_56 = tpu.memref_slice %arg5[%run_scoped3A_54, %arg0, %mul3A_53] : memref<2x2x65536xf32, #tpu.memory_space<hbm>> -> memref<1x1x4096xf32, #tpu.memory_space<hbm>>
      %dma_start3A_57 = tpu.memref_squeeze %dma_start3A_56 : memref<1x1x4096xf32, #tpu.memory_space<hbm>> -> memref<4096xf32, #tpu.memory_space<hbm>>
      %dma_start3A_58 = tpu.memref_slice %arg18[%mul3A_53] : memref<65536xf32, #tpu.memory_space<vmem_shared>> -> memref<4096xf32, #tpu.memory_space<vmem_shared>>
      tpu.enqueue_dma source(%dma_start3A_58 : memref<4096xf32, #tpu.memory_space<vmem_shared>>) target(%dma_start3A_57 : memref<4096xf32, #tpu.memory_space<hbm>>) target_semaphore(%run_scoped3A_55 : memref<!tpu.dma_semaphore, #tpu.memory_space<semaphore_mem>>)
      %dma_wait3A_59 = tpu.memref_slice %arg5[%run_scoped3A_54, %arg0, %mul3A_53] : memref<2x2x65536xf32, #tpu.memory_space<hbm>> -> memref<1x1x4096xf32, #tpu.memory_space<hbm>>
      %dma_wait3A_60 = tpu.memref_squeeze %dma_wait3A_59 : memref<1x1x4096xf32, #tpu.memory_space<hbm>> -> memref<4096xf32, #tpu.memory_space<hbm>>
      %dma_wait3A_61 = tpu.memref_slice %arg18[%mul3A_53] : memref<65536xf32, #tpu.memory_space<vmem_shared>> -> memref<4096xf32, #tpu.memory_space<vmem_shared>>
      tpu.wait_dma2 semaphore(%run_scoped3A_55 : memref<!tpu.dma_semaphore, #tpu.memory_space<semaphore_mem>>) src(%dma_wait3A_61 : memref<4096xf32, #tpu.memory_space<vmem_shared>>) dst(%dma_wait3A_60 : memref<4096xf32, #tpu.memory_space<hbm>>)
      tpu.yield
    }) : () -> ()
    return
  }
}

module attributes {stable_mosaic.version = 14 : i64} {
  func.func @_combine_body(%arg0: memref<2x2x256x256xf32, #tpu.memory_space<vmem>>, %arg1: memref<2x256x256xf32, #tpu.memory_space<vmem>>) attributes {dimension_semantics = [], scalar_prefetch = 0 : i64, scratch_operands = 0 : i64, tpu.core_type = #tpu.core_type<tc>} {
    %get3A = arith.constant 0 : index
    %get3A_0 = arith.constant 0 : index
    %get3A_1 = arith.constant 0 : index
    %get3A_2 = arith.constant 0 : index
    %get3A_3 = vector.load %arg0[%get3A, %get3A_0, %get3A_1, %get3A_2] : memref<2x2x256x256xf32, #tpu.memory_space<vmem>>, vector<1x1x256x256xf32>
    %get3A_4 = vector.shape_cast %get3A_3 : vector<1x1x256x256xf32> to vector<256x256xf32>
    %get3A_5 = arith.constant 0 : index
    %get3A_6 = arith.constant 1 : index
    %get3A_7 = arith.constant 0 : index
    %get3A_8 = arith.constant 0 : index
    %get3A_9 = vector.load %arg0[%get3A_5, %get3A_6, %get3A_7, %get3A_8] : memref<2x2x256x256xf32, #tpu.memory_space<vmem>>, vector<1x1x256x256xf32>
    %get3A_10 = vector.shape_cast %get3A_9 : vector<1x1x256x256xf32> to vector<256x256xf32>
    %add3A = arith.addf %get3A_4, %get3A_10 : vector<256x256xf32>
    %get3A_11 = arith.constant 1 : index
    %get3A_12 = arith.constant 0 : index
    %get3A_13 = arith.constant 0 : index
    %get3A_14 = arith.constant 0 : index
    %get3A_15 = vector.load %arg0[%get3A_11, %get3A_12, %get3A_13, %get3A_14] : memref<2x2x256x256xf32, #tpu.memory_space<vmem>>, vector<1x1x256x256xf32>
    %get3A_16 = vector.shape_cast %get3A_15 : vector<1x1x256x256xf32> to vector<256x256xf32>
    %get3A_17 = arith.constant 1 : index
    %get3A_18 = arith.constant 1 : index
    %get3A_19 = arith.constant 0 : index
    %get3A_20 = arith.constant 0 : index
    %get3A_21 = vector.load %arg0[%get3A_17, %get3A_18, %get3A_19, %get3A_20] : memref<2x2x256x256xf32, #tpu.memory_space<vmem>>, vector<1x1x256x256xf32>
    %get3A_22 = vector.shape_cast %get3A_21 : vector<1x1x256x256xf32> to vector<256x256xf32>
    %add3A_23 = arith.addf %get3A_16, %get3A_22 : vector<256x256xf32>
    %ne3A = arith.constant 0.000000e+00 : f32
    %ne3A_24 = vector.broadcast %ne3A : f32 to vector<256x256xf32>
    %ne3A_25 = arith.cmpf one, %add3A, %ne3A_24 : vector<256x256xf32>
    %convert_element_type3A = arith.extui %ne3A_25 : vector<256x256xi1> to vector<256x256xi32>
    %convert_element_type3A_26 = arith.sitofp %convert_element_type3A : vector<256x256xi32> to vector<256x256xf32>
    %mul3A = arith.mulf %add3A, %convert_element_type3A_26 : vector<256x256xf32>
    %swap3A = arith.constant 0 : index
    %swap3A_27 = arith.constant 0 : index
    %swap3A_28 = arith.constant 0 : index
    %swap3A_29 = vector.load %arg1[%swap3A, %swap3A_27, %swap3A_28] : memref<2x256x256xf32, #tpu.memory_space<vmem>>, vector<1x256x256xf32>
    %swap3A_30 = vector.shape_cast %swap3A_29 : vector<1x256x256xf32> to vector<256x256xf32>
    %swap3A_31 = vector.shape_cast %mul3A : vector<256x256xf32> to vector<1x256x256xf32>
    tpu.vector_store %arg1[%swap3A, %swap3A_27, %swap3A_28], %swap3A_31 {strides = array<i32>} : memref<2x256x256xf32, #tpu.memory_space<vmem>>, vector<1x256x256xf32>,
    %mul3A_32 = arith.mulf %add3A_23, %convert_element_type3A_26 : vector<256x256xf32>
    %swap3A_33 = arith.constant 1 : index
    %swap3A_34 = arith.constant 0 : index
    %swap3A_35 = arith.constant 0 : index
    %swap3A_36 = vector.load %arg1[%swap3A_33, %swap3A_34, %swap3A_35] : memref<2x256x256xf32, #tpu.memory_space<vmem>>, vector<1x256x256xf32>
    %swap3A_37 = vector.shape_cast %swap3A_36 : vector<1x256x256xf32> to vector<256x256xf32>
    %swap3A_38 = vector.shape_cast %mul3A_32 : vector<256x256xf32> to vector<1x256x256xf32>
    tpu.vector_store %arg1[%swap3A_33, %swap3A_34, %swap3A_35], %swap3A_38 {strides = array<i32>} : memref<2x256x256xf32, #tpu.memory_space<vmem>>, vector<1x256x256xf32>,
    return
  }
}

</mosaic_0001>

<sc_bundles>
// kernel: kernel.4.cloned.1.call-start
scs
__scs_entry_jumppad:
0x0: {  	(pc) =	sbr.rel $0x88, $3  }
0x1: {  	(tag) =	ssettag $0x0;
	lr =	simm.s32 $0x1  }
0x2: {  	[smem:$0x3F9C] =	sst lr;
	_ =	strace $0xD0000000  }
0x3: {  	_ = 	snop  }
0x4: {  	_ = 	snop  }
0x5: {  	_ = 	snop  }
0x6: {  	_ = 	snop  }
0x7: {  	_ = 	snop  }
__scs_overlays_trampoline_lowered:
0x8: {  	[smem:$0x3FAB] =	sst s0  }
0x9: {  	[smem:$0x3FAC] =	sst s1  }
0xa: {  	[smem:$0x3FAD] =	sst s2  }
0xb: {  	[smem:$0x3FAE] =	sst s3  }
0xc: {  	[smem:$0x3FAF] =	sst s4  }
0xd: {  	[smem:$0x3FB0] =	sst s5  }
0xe: {  	[smem:$0x3FB1] =	sst s6  }
0xf: {  	[smem:$0x3FB2] =	sst s7  }
0x10: {  	[smem:$0x3FB3] =	sst s8  }
0x11: {  	[smem:$0x3FB4] =	sst s9;
	s0 =	simm.s32 @!p0 $0x0  }
0x12: {  	s1 =	sld [smem:$0x3F9A];
	s0 =	simm.s32 @p0 $0x1  }
0x13: {  	[smem:$0x3FB5] =	sst s0;
	s0 =	simm.s32 @!p1 $0x0  }
0x14: {  	s2 =	sld [smem:$0x3F99];
	s0 =	simm.s32 @p1 $0x1  }
0x15: {  	[smem:$0x3FB6] =	sst s0;
	s0 =	simm.s32 @!p2 $0x0  }
0x16: {  	s3 =	sld [smem:$0x3FDB];
	s0 =	simm.s32 @p2 $0x1  }
0x17: {  	s4 =	simm.s32 $0x1BF5;
	[smem:$0x3FB8] =	sst s0  }
0x18: {  	s0 =	sld [smem:$0x3F9B];
	_ =	swait.ge [sflag:s4], $0x0  }
0x19: {  	s7 =	sld [smem:$0x3F9C]  }
0x1a: {  	s8 =	sadd.s32 $0xFFFFE003, lr  }
0x1b: {  	s9 =	sadd.s32 $0xFFFFFEF7, lr;
	s5 =	simm.s32 $0xFFFFFFFF;
	p2 =	slt.u32 s8, $0xFFFFF086  }
0x1c: {  	p1 =	slt.u32 s9, $0xF7A;
	s5 =	simm.s32 @!p2 $0x0  }
0x1d: {  	s5 =	simm.s32 @p1 $0x1;
	p0 =	seq.s32 s7, s2  }
0x1e: {  	s7 =	smul.u32 @!p0 $0xF7A, s2;
	p2 =	seq.s32 @!p0 s5, $0x0  }
0x1f: {  	s9 =	smul.u32 $0xF7A, s1;
	s8 =	simm.s32 @!p0 $0x1BF5;
	p2 =	por !p2, p0  }
0x20: {  	[sflag:s8] =	ssyncset.s32 @!p0 $0xFFFFF086;
	s6 =	sadd.s32 @!p0 s3, s7;
	s7 =	simm.s32 @!p0 $0x108  }
0x21: {  	s3 =	sadd.s32 s3, s9;
	s6 =	sadd.s32 @!p0 $0x88, s6;
	s7 =	simm.s32 @p2 $0x1082  }
0x22: {  	[simem:s7], [sflag:s8] =	dma.local @!p0 [hbm:s6], $0xF7A  }
0x23: {  	s9 =	sor.u32 $0xD0000000, s2;
	s6 =	simm.s32 $0x108;
	_ =	swait.ge @!p0 [sflag:s8], $0x0  }
0x24: {  	s3 =	sadd.s32 $0x88, s3;
	s6 =	simm.s32 @!p1 $0x1082;
	[sflag:s4] =	ssyncset.s32 $0xFFFFF086  }
0x25: {  	[simem:s6], [sflag:s4] =	dma.local [hbm:s3], $0xF7A  }
0x26: {  	[smem:$0x3F9C] =	sst s1;
	(tag) =	ssettag s2;
	_ =	strace s9  }
0x27: {  	s1 =	sld [smem:$0x3FAC]  }
0x28: {  	s2 =	sld [smem:$0x3FAD]  }
0x29: {  	s4 =	sld [smem:$0x3FAF]  }
0x2a: {  	p0 =	seq.s32 s5, $0x0;
	s5 =	sld [smem:$0x3FB0]  }
0x2b: {  	s6 =	sld [smem:$0x3FB1]  }
0x2c: {  	s7 =	sld [smem:$0x3FB2]  }
0x2d: {  	s3 =	simm.s32 $0x108;
	s8 =	sld [smem:$0x3FB3]  }
0x2e: {  	s3 =	simm.s32 @!p0 $0x1082;
	s9 =	sld [smem:$0x3FB4]  }
0x2f: {  	lr =	sadd.s32 s0, s3;
	s0 =	sld [smem:$0x3FAB]  }
0x30: {  	s3 =	sld [smem:$0x3FAE]  }
0x31: {  	[smem:$0x3FB7] =	sst s10  }
0x32: {  	s10 =	sld [smem:$0x3FB5];
	_ =	sdelay $0x3  }
0x33: {  	p0 =	seq.s32 s10, $0x1;
	s10 =	sld [smem:$0x3FB7];
	_ =	sdelay $0x3  }
0x34: {  	[smem:$0x3FB7] =	sst s10  }
0x35: {  	s10 =	sld [smem:$0x3FB6];
	_ =	sdelay $0x3  }
0x36: {  	p1 =	seq.s32 s10, $0x1;
	s10 =	sld [smem:$0x3FB7];
	_ =	sdelay $0x3  }
0x37: {  	[smem:$0x3FB7] =	sst s10  }
0x38: {  	s10 =	sld [smem:$0x3FB8]  }
0x39: {  	_ = 	snop;
	(pc) =	sbr.ind lr, $3  }
0x3a: {  	_ = 	snop  }
0x3b: {  	_ = 	snop  }
0x3c: {  	p2 =	seq.s32 s10, $0x1;
	s10 =	sld [smem:$0x3FB7]  }
0x3d: {  	_ =	shalt  }
0x3e: {  	_ =	shalt  }
0x3f: {  	_ =	shalt  }
0x40: {  	_ =	shalt  }
0x41: {  	_ =	shalt  }
0x42: {  	_ =	shalt  }
0x43: {  	_ =	shalt  }
0x44: {  	_ =	shalt  }
0x45: {  	_ =	shalt  }
0x46: {  	_ =	shalt  }
0x47: {  	_ =	shalt  }
0x48: {  	_ =	shalt  }
0x49: {  	_ =	shalt  }
0x4a: {  	_ =	shalt  }
0x4b: {  	_ =	shalt  }
0x4c: {  	_ =	shalt  }
0x4d: {  	_ =	shalt  }
0x4e: {  	_ =	shalt  }
0x4f: {  	_ =	shalt  }
0x50: {  	_ =	shalt  }
0x51: {  	_ =	shalt  }
0x52: {  	_ =	shalt  }
0x53: {  	_ =	shalt  }
0x54: {  	_ =	shalt  }
0x55: {  	_ =	shalt  }
0x56: {  	_ =	shalt  }
0x57: {  	_ =	shalt  }
0x58: {  	_ =	shalt  }
0x59: {  	_ =	shalt  }
0x5a: {  	_ =	shalt  }
0x5b: {  	_ =	shalt  }
0x5c: {  	_ =	shalt  }
0x5d: {  	_ =	shalt  }
0x5e: {  	_ =	shalt  }
0x5f: {  	_ =	shalt  }
0x60: {  	_ =	shalt  }
0x61: {  	_ =	shalt  }
0x62: {  	_ =	shalt  }
0x63: {  	_ =	shalt  }
0x64: {  	_ =	shalt  }
0x65: {  	_ =	shalt  }
0x66: {  	_ =	shalt  }
0x67: {  	_ =	shalt  }
0x68: {  	_ =	shalt  }
0x69: {  	_ =	shalt  }
0x6a: {  	_ =	shalt  }
0x6b: {  	_ =	shalt  }
0x6c: {  	_ =	shalt  }
0x6d: {  	_ =	shalt  }
0x6e: {  	_ =	shalt  }
0x6f: {  	_ =	shalt  }
0x70: {  	_ =	shalt  }
0x71: {  	_ =	shalt  }
0x72: {  	_ =	shalt  }
0x73: {  	_ =	shalt  }
0x74: {  	_ =	shalt  }
0x75: {  	_ =	shalt  }
0x76: {  	_ =	shalt  }
0x77: {  	_ =	shalt  }
0x78: {  	_ =	shalt  }
0x79: {  	_ =	shalt  }
0x7a: {  	_ =	shalt  }
0x7b: {  	_ =	shalt  }
0x7c: {  	_ =	shalt  }
0x7d: {  	_ =	shalt  }
0x7e: {  	_ =	shalt  }
0x7f: {  	_ =	shalt  }
0x80: {  	_ =	shalt  }
0x81: {  	_ =	shalt  }
0x82: {  	_ =	shalt  }
0x83: {  	_ =	shalt  }
0x84: {  	_ =	shalt  }
0x85: {  	_ =	shalt  }
0x86: {  	_ =	shalt  }
0x87: {  	_ =	shalt  }
.Lfunc_end0:
.L_simem_size_0:
called_computation_lowered:
.L_overlay_start_0:
0x88: {  	s2 =	sld [smem:$0x3FD9]  }
0x89: {  	s3 =	sld [smem:$0x3FFE];
	_ =	sdelay $0x1  }
0x8a: {  	s1 =	srdreg.scid  }
0x8b: {  	s0 =	sand.u32 $0x1, s1  }
0x8c: {  	s17 =	sshll.u32 s0, $0xA;
	s2 =	sadd.s32 s3, s2  }
0x8d: {  	s2 =	sadd.s32 s2, s17  }
0x8e: {  	[smem:$0x3FC3] =	sst s2  }
0x8f: {  	_ = 	snop  }
0x90: {  	s2 =	sld [smem:$0x3FD0];
	(tm) =	ssettm $0x1  }
0x91: {  	s18 =	sld [smem:$0x3FFB];
	_ =	sdelay $0x3  }
0x92: {  	_ =	strace s18  }
0x93: {  	s3 =	sld [smem:$0x3FFC];
	_ =	sdelay $0x3  }
0x94: {  	_ =	strace s3  }
0x95: {  	s3 =	sld [smem:$0x3FFD];
	_ =	sdelay $0x3  }
0x96: {  	_ =	strace s3  }
0x97: {  	_ =	strace $0x8FFFFFFF  }
0x98: {  	s19 =	sld [smem:$0x3FDB];
	_ =	sdelay $0x1  }
0x99: {  	s4 =	simm.s32 $_scs_section_size  }
0x9a: {  	s5 =	simm.s32 $_size__tile_overlayer_lowered;
	s6 =	simm.s32 $_tile_overlayer_lowered  }
0x9b: {  	s22 =	simm.s32 $0x1BFF;
	s21 =	sshll.u32 s6, $0x1;
	s3 =	sadd.s32 s4, s19  }
0x9c: {  	s7 =	simm.s32 $0x0;
	s20 =	sshll.u32 s5, $0x1;
	s5 =	sadd.s32 s21, s3  }
0x9d: {  	[timem:s7], [sflag:s22] =	dma.local [hbm:s5], s20  }
0x9e: {  	_ =	swait.ge [sflag:s22], s20  }
0x9f: {  	s4 =	ssub.s32 $0x0, s20;
	[sflag:s22] =	ssyncset.done $0x0  }
0xa0: {  	[sflag:s22] =	ssyncadd.s32 s4;
	_ =	sdelay $0x1  }
0xa1: {  	s23 =	simm.s32 $0x1B8B  }
0xa2: {  	_ =	swait.ge [sflag:s23], $0x1  }
0xa3: {  	[sflag:s23] =	ssyncset.done $0x0  }
0xa4: {  	s25 =	simm.s32 $0x1B8E;
	s24 =	sld [smem:$0x3FFE];
	[sflag:s23] =	ssyncadd.s32 $0xFFFFFFFF  }
0xa5: {  	s26 =	simm.s32 $execute0_lowered;
	[smem:$0x3FD2] =	sst s25  }
0xa6: {  	s5 =	sshll.u32 s26, $0x1;
	_ =	strace $0x80000046;
	[dreg:$0x1] =	wrdreg $0xFFFFFFFF  }
0xa7: {  	s28 =	simm.s32 $_size_execute0_lowered;
	s3 =	sadd.s32 s3, s5;
	[dreg:$0x0] =	wrdreg $0x0  }
0xa8: {  	s5 =	sshll.u32 s28, $0x1;
	[dreg:$0x2] =	wrdreg s3  }
0xa9: {  	[dreg:$0x3] =	wrdreg s5  }
0xaa: {  	[dreg:$0x4] =	wrdreg $0xC0  }
0xab: {  	_ =	task [dreg:s7], $0x5FFFF  }
0xac: {  	[dreg:$0x1] =	wrdreg $0xFFFFFFFF  }
0xad: {  	[dreg:$0x0] =	wrdreg $0x60  }
0xae: {  	[dreg:$0x2] =	wrdreg s24  }
0xaf: {  	[dreg:$0x3] =	wrdreg s2  }
0xb0: {  	[dreg:$0x4] =	wrdreg $0x52000  }
0xb1: {  	[dreg:$0x5] =	wrdreg $0x62000  }
0xb2: {  	[dreg:$0x6] =	wrdreg $0x9  }
0xb3: {  	_ =	task.clear_ibuf [dreg:s7], $0x7FFFF;
	_ =	strace $0x90000046  }
0xb4: {  	s29 =	simm.s32 $0x9;
	_ =	strace $0x80000048  }
0xb5: {  	_ =	swait.ge [sflag:s29], $0x1  }
0xb6: {  	[sflag:s29] =	ssyncadd.s32 $0xFFFFFFFF  }
0xb7: {  	_ =	strace $0x90000048  }
0xb8: {  	_ =	sfence  }
0xb9: {  	s30 =	sld [smem:$0x0];
	_ =	sdelay $0x2  }
0xba: {  	s31 =	sshll.u32 s1, $0xD;
	s1 =	sshrl.u32 s1, $0x2  }
0xbb: {  	s3 =	sand.u32 $0x4000, s31;
	s1 =	sadd.s32 s1, s30  }
0xbc: {  	s0 =	sor.u32 s3, s0;
	s1 =	sshll.u32 s1, $0x11  }
0xbd: {  	s0 =	sor.u32 s1, s0  }
0xbe: {  	s0 =	sadd.s32 $0x8F2B, s0  }
0xbf: {  	[sflag:s0] =	ssyncadd.remote.s32 $0x1  }
0xc0: {  	_ =	sfence.sel $0xFFFF  }
0xc1: {  	[dreg:$0x0] =	wrdreg $0xFFFFFFFF;
	(pc) =	sbr.abs _section_cstart, $3  }
0xc2: {  	[dreg:$0x1] =	wrdreg $0xFFFFFFFF  }
0xc3: {  	_ =	task.clear_ibuf [dreg:s7], $0x2FFFF;
	_ =	strace $0x9FFFFFFF  }
0xc4: {  	(tm) =	ssettm $0x7FFFFFFF  }
0xc5: {  	_ =	shalt  }
tec
execute0_lowered:
.L_overlay_start_1:
0x0: {  	(tag) =	ssettag $0x1  }
0x1: {  	s0 =	rddreg [dreg:$0x0]  }
0x2: {  	s2 =	rddreg [dreg:$0x2]  }
0x3: {  	s3 =	rddreg [dreg:$0x3]  }
0x4: {  	s4 =	simm.s32 $0x0;
	s1 =	srdreg.scid;
	s10 =	stileid.u32  }
0x5: {  	s28 =	simm.s32 $0x2200;
	s29 =	simm.s32 $0x2A00;
	s30 =	simm.s32 $0x3A00  }
0x6: {  	s31 =	simm.s32 $0x3200;
	[smem:$0x7FF] =	sst s4;
	s6 =	sadd.s32 $0x600, s0  }
0x7: {  	s1 =	sand.u32 $0x1, s1;
	s5 =	sshll.u32 s10, $0xA;
	s7 =	sadd.s32 $0x20600, s0  }
0x8: {  	s18 =	sshll.u32 s10, $0xC;
	s19 =	sshll.u32 s10, $0x10;
	s10 =	simm.s32 $0x2  }
0x9: {  	_ =	strace $0x80000047;
	s8 =	sshll.u32 s1, $0x4;
	s9 =	ssub.s32 $0x2, s1  }
0xa: {  	s11 =	sadd.s32 s18, s2;
	s1 =	sshll.u32 s1, $0xF;
	s12 =	sadd.s32 s18, s3  }
0xb: {  	s5 =	sor.u32 s8, s5;
	s14 =	sshrl.u32 s9, $0x1;
	[dreg:$0x5] =	wrdreg s11  }
0xc: {  	s8 =	sor.u32 $0x800, s18;
	s1 =	sor.u32 s1, s19;
	[dreg:$0x6] =	wrdreg s12  }
0xd: {  	s0 =	sadd.s32 s5, s0;
	s15 =	ssub.s32 s9, s14;
	s20 =	sadd.s32 s8, s2  }
0xe: {  	s8 =	sadd.s32 s8, s3;
	s21 =	sshrl.u32 s1, $0x3;
	s16 =	sor.u32 $0x1000, s1  }
0xf: {  	s17 =	sor.u32 $0x1800, s1;
	s1 =	simm.s32 $0x4A00;
	[dreg:$0x7] =	wrdreg s20  }
0x10: {  	s5 =	simm.s32 $0x1;
	[dreg:$0x8] =	wrdreg s8;
	s22 =	sadd.s32 s6, s21  }
0x11: {  	s9 =	simm.s32 $0x0;
	s23 =	sadd.s32 s7, s21;
	[dreg:$0x9] =	wrdreg s22  }
0x12: {  	s8 =	sor.u32 $0x100, s21;
	s25 =	sadd.s32 $0x40600, s0;
	[dreg:$0xa] =	wrdreg s23  }
0x13: {  	s0 =	sadd.s32 $0x44600, s0;
	s26 =	smax.u32 s15, $0x1;
	[dreg:$0xd] =	wrdreg s25  }
0x14: {  	s21 =	simm.s32 $0x3;
	s24 =	sadd.s32 s6, s8;
	[dreg:$0xe] =	wrdreg s0  }
0x15: {  	s8 =	sadd.s32 s7, s8;
	[dreg:$0xf] =	wrdreg s26;
	s22 =	simm.s32 $0x1A00  }
0x16: {  	s25 =	simm.s32 $0x800;
	s26 =	simm.s32 $0xA00;
	[dreg:$0xb] =	wrdreg s24  }
0x17: {  	v0 =	vimm.f32 $0.0e+00;
	s0 =	simm.s32 $0x4200;
	[dreg:$0xc] =	wrdreg s8;
	s24 =	simm.s32 $0x1200  }
.LBB2_1:
0x18: {  	[dreg:$0x10] =	wrdreg s9  }
0x19: {  	s8 =	rddreg [dreg:$0x1]  }
0x1a: {  	[tilespmem:s4], [sflag:$0x3] =	stream.linear.gather [hbm4b:s8+s4], $0x200, $0x38;
	[tilespmem:$0x7200] =	vst v63  }
0x1b: {  	_ =	swait.ge [sflag:s21], $0x200  }
0x1c: {  	[sflag:s21] =	ssyncset.done $0x0  }
0x1d: {  	s8 =	simm.s32 $0x1A40;
	[sflag:s21] =	ssyncadd.s32 $0xFFFFFE00  }
0x1e: {  	[tilespmem:s8+$0xFFFFFFC0] =	vst v0  }
0x1f: {  	[tilespmem:s8+$0x30] =	vst v0  }
0x20: {  	[tilespmem:s8+$0x20] =	vst v0  }
0x21: {  	[tilespmem:s8+$0x10] =	vst v0  }
0x22: {  	[tilespmem:s8+$0x0] =	vst v0  }
0x23: {  	[tilespmem:s8+$0xFFFFFFF0] =	vst v0  }
0x24: {  	s9 =	simm.s32 $0x0;
	[tilespmem:s8+$0xFFFFFFE0] =	vst v0  }
.LBB2_2:
0x25: {  	s9 =	sadd.s32 $0x8, s9;
	[tilespmem:s8+$0xFFFFFFD0] =	vst v0;
	s8 =	sadd.s32 $0x80, s8  }
0x26: {  	[tilespmem:s8+$0xFFFFFFC0] =	vst v0;
	p0 =	slt.u32 s9, $0x78  }
0x27: {  	[tilespmem:s8+$0x30] =	vst v0  }
.Ltmp0:
0x28: {  	[tilespmem:s8+$0x20] =	vst v0;
	(pc) =	sbr.rel @p0 .LBB2_2-.Ltmp0, $4  }
0x29: {  	[tilespmem:s8+$0x10] =	vst v0  }
0x2a: {  	[tilespmem:s8+$0x0] =	vst v0  }
0x2b: {  	[tilespmem:s8+$0xFFFFFFF0] =	vst v0  }
0x2c: {  	[tilespmem:s8+$0xFFFFFFE0] =	vst v0  }
0x2d: {  	[tilespmem:s8+$0xFFFFFFD0] =	vst v0  }
0x2e: {  	[spmem:s11] =	stream.linear.scatter [tilespmem:s22], [sflag:$0x3], $0x800, $0x38;
	[tilespmem:$0x7200] =	vst v63  }
0x2f: {  	_ =	swait.ge [sflag:s21], $0x800  }
0x30: {  	[sflag:s21] =	ssyncset.done $0x0  }
0x31: {  	[sflag:s21] =	ssyncadd.s32 $0xFFFFF800  }
0x32: {  	[spmem:s12] =	stream.linear.scatter [tilespmem:s22], [sflag:$0x3], $0x800, $0x38;
	[tilespmem:$0x7200] =	vst v63  }
0x33: {  	_ =	swait.ge [sflag:s21], $0x800  }
0x34: {  	[sflag:s21] =	ssyncset.done $0x0  }
0x35: {  	s15 =	rddreg [dreg:$0x7];
	[sflag:s21] =	ssyncadd.s32 $0xFFFFF800  }
0x36: {  	[spmem:s15] =	stream.linear.scatter [tilespmem:s22], [sflag:$0x3], $0x800, $0x38;
	[tilespmem:$0x7200] =	vst v63  }
0x37: {  	_ =	swait.ge [sflag:s21], $0x800  }
0x38: {  	[sflag:s21] =	ssyncset.done $0x0  }
0x39: {  	s18 =	rddreg [dreg:$0x8];
	[sflag:s21] =	ssyncadd.s32 $0xFFFFF800  }
0x3a: {  	[spmem:s18] =	stream.linear.scatter [tilespmem:s22], [sflag:$0x3], $0x800, $0x38;
	[tilespmem:$0x7200] =	vst v63  }
0x3b: {  	_ =	swait.ge [sflag:s21], $0x800  }
0x3c: {  	[sflag:s21] =	ssyncset.done $0x0  }
0x3d: {  	[sflag:s21] =	ssyncadd.s32 $0xFFFFF800  }
0x3e: {  	[bflag:$0x0] =	sbarrier.arrive $0xFFFF  }
0x3f: {  	s9 =	simm.s32 $0x200;
	s19 =	rddreg [dreg:$0x9]  }
0x40: {  	[tilespmem:s9], [sflag:$0x3] =	stream.linear.gather [hbm4b:s19+s4], $0x800, $0x38;
	[tilespmem:$0x7200] =	vst v63  }
0x41: {  	_ =	swait.ge [sflag:s21], $0x800  }
0x42: {  	[sflag:s21] =	ssyncset.done $0x0  }
0x43: {  	s20 =	rddreg [dreg:$0xa];
	[sflag:s21] =	ssyncadd.s32 $0xFFFFF800  }
0x44: {  	[tilespmem:s24], [sflag:$0x3] =	stream.linear.gather [hbm4b:s20+s4], $0x800, $0x38;
	[tilespmem:$0x7200] =	vst v63  }
0x45: {  	_ =	swait.ge [sflag:s21], $0x800  }
0x46: {  	[sflag:s21] =	ssyncset.done $0x0  }
0x47: {  	s23 =	simm.s32 $0x1240;
	[sflag:s21] =	ssyncadd.s32 $0xFFFFF800  }
0x48: {  	v2 =	vld [tilespmem:s23+$0xFFFFFFD0]  }
0x49: {  	v1 =	vld [tilespmem:s23+$0xFFFFFFE0]  }
0x4a: {  	v4 =	vld [tilespmem:s23+$0xFFFFFFF0]  }
0x4b: {  	v5 =	vld [tilespmem:s23+$0x0]  }
0x4c: {  	v10 =	vld [tilespmem:s23+$0x10]  }
0x4d: {  	s14 =	simm.s32 $0x240;
	v3 =	vld [tilespmem:s23+$0x20]  }
0x4e: {  	v7 =	vld [tilespmem:s14+$0xFFFFFFC0]  }
0x4f: {  	v8 =	vld [tilespmem:s14+$0x30]  }
0x50: {  	v6 =	vld [tilespmem:s14+$0x20]  }
0x51: {  	v9 =	vld [tilespmem:s14+$0x10]  }
0x52: {  	v11 =	vld [tilespmem:s14+$0x0]  }
0x53: {  	v13 =	vld [tilespmem:s14+$0xFFFFFFF0];
	v12 =	vand.u32 $0xFF, v7  }
0x54: {  	v14 =	vld [tilespmem:s14+$0xFFFFFFE0];
	v15 =	vand.u32 $0xFF, v8  }
0x55: {  	v18 =	vld [tilespmem:s14+$0xFFFFFFD0];
	v20 =	vand.u32 $0xFF, v6  }
0x56: {  	v19 =	vld [tilespmem:s23+$0x30];
	v16 =	vor.u32 $0x100, v12  }
0x57: {  	v21 =	vld [tilespmem:s23+$0xFFFFFFC0];
	v17 =	vor.u32 $0x100, v15  }
0x58: {  	v22 =	vand.u32 $0xFF, v9;
	v12 =	vld.idx.msk [tilespmem:v12+s4+$0x0], $0xffff  }
0x59: {  	v24 =	vand.u32 $0xFF, v11;
	v15 =	vld.idx.msk [tilespmem:v15+s4+$0x0], $0xffff  }
0x5a: {  	v23 =	vor.u32 $0x100, v22;
	v27 =	vld.idx.msk [tilespmem:v20+s4+$0x0], $0xffff  }
0x5b: {  	v25 =	vand.u32 $0xFF, v13;
	v16 =	vld.idx.msk [tilespmem:v16+s4+$0x0], $0xffff  }
0x5c: {  	s11 =	simm.s32 $0xA40;
	v26 =	vand.u32 $0xFF, v14;
	v7 =	vshrl.u32 v7, $0x8;
	v17 =	vld.idx.msk [tilespmem:v17+s4+$0x0], $0xffff  }
0x5d: {  	v29 =	vor.u32 $0x100, v26;
	v22 =	vld.idx.msk [tilespmem:v22+s4+$0x0], $0xffff;
	[tilespmem:s11+$0xFFFFFFC0] =	vst v7;
	v7 =	vshrl.u32 v8, $0x8  }
0x5e: {  	v28 =	vor.u32 $0x100, v24;
	v24 =	vld.idx.msk [tilespmem:v24+s4+$0x0], $0xffff;
	v8 =	vshrl.u32 v9, $0x8;
	[tilespmem:s11+$0x30] =	vst v7;
	v7 =	vmul.f32 v12, v21  }
0x5f: {  	s15 =	simm.s32 $0x1A40;
	v23 =	vld.idx.msk [tilespmem:v23+s4+$0x0], $0xffff;
	[tilespmem:s11+$0x10] =	vst v8;
	v12 =	vor.u32 $0x100, v25;
	v8 =	vmul.f32 v15, v19  }
0x60: {  	v62 =	vld.idx.msk [tilespmem:v25+s4+$0x0], $0xffff;
	v15 =	vand.u32 $0xFF, v18;
	[tilespmem:s15+$0xFFFFFFC0] =	vst v7;
	v7 =	vmul.f32 v16, v21  }
0x61: {  	s12 =	simm.s32 $0x2240;
	v26 =	vld.idx.msk [tilespmem:v26+s4+$0x0], $0xffff;
	v63 =	vor.u32 $0x100, v15;
	[tilespmem:s15+$0x30] =	vst v8;
	v16 =	vmul.f32 v17, v19  }
0x62: {  	v9 =	vld.idx.msk [tilespmem:v29+s4+$0x0], $0xffff;
	v19 =	vor.u32 $0x100, v20;
	v20 =	vmul.f32 v22, v10;
	[tilespmem:s12+$0xFFFFFFC0] =	vst v7  }
0x63: {  	v8 =	vld.idx.msk [tilespmem:v28+s4+$0x0], $0xffff;
	[tilespmem:s12+$0x30] =	vst v16  }
0x64: {  	v7 =	vshrl.u32 v14, $0x8;
	v14 =	vshrl.u32 v11, $0x8;
	[tilespmem:s15+$0x10] =	vst v20;
	v11 =	vld.idx.msk [tilespmem:v12+s4+$0x0], $0xffff  }
0x65: {  	v17 =	vmul.f32 v23, v10;
	[tilespmem:s11+$0xFFFFFFE0] =	vst v7;
	v12 =	vld.idx.msk [tilespmem:v15+s4+$0x0], $0xffff  }
0x66: {  	s13 =	simm.s32 $0x22C0;
	s8 =	simm.s32 $0xA40;
	v13 =	vshrl.u32 v13, $0x8;
	v16 =	vmul.f32 v24, v5;
	v7 =	vmul.f32 v27, v3;
	[tilespmem:s11+$0x0] =	vst v14;
	v10 =	vld.idx.msk [tilespmem:v63+s4+$0x0], $0xffff  }
0x67: {  	s18 =	simm.s32 $0x0;
	s19 =	simm.s32 $0x12C0;
	s9 =	simm.s32 $0x1AC0;
	v18 =	vshrl.u32 v18, $0x8;
	[tilespmem:s11+$0xFFFFFFF0] =	vst v13;
	v14 =	vmul.f32 v62, v4;
	v15 =	vmul.f32 v26, v1;
	v13 =	vld.idx.msk [tilespmem:v19+s4+$0x0], $0xffff  }
.LBB2_4:
0x68: {  	v19 =	vld [tilespmem:s19+$0xFFFFFFD0];
	s18 =	sadd.s32 $0x8, s18;
	[tilespmem:s12+$0x10] =	vst v17;
	s14 =	sadd.s32 $0x80, s14;
	s11 =	sadd.s32 $0x80, s11  }
0x69: {  	v9 =	vmul.f32 v9, v1;
	p0 =	slt.u32 s18, $0x78;
	[tilespmem:s8+$0xFFFFFFD0] =	vst v18;
	v1 =	vld [tilespmem:s19+$0xFFFFFFE0]  }
0x6a: {  	v6 =	vshrl.u32 v6, $0x8;
	v11 =	vmul.f32 v11, v4;
	v4 =	vld [tilespmem:s19+$0xFFFFFFF0];
	[tilespmem:s15+$0x0] =	vst v16  }
0x6b: {  	v12 =	vmul.f32 v12, v2;
	v16 =	vld [tilespmem:s19+$0x0];
	[tilespmem:s8+$0x20] =	vst v6;
	s8 =	smov.u32 s11  }
0x6c: {  	v8 =	vmul.f32 v8, v5;
	v10 =	vmul.f32 v10, v2;
	v17 =	vld [tilespmem:s19+$0x10];
	[tilespmem:s15+$0xFFFFFFF0] =	vst v14  }
0x6d: {  	v13 =	vmul.f32 v13, v3;
	[tilespmem:s15+$0xFFFFFFE0] =	vst v15;
	v3 =	vld [tilespmem:s19+$0x20];
	v2 =	vmov v19  }
0x6e: {  	v14 =	vld [tilespmem:s14+$0xFFFFFFC0];
	[tilespmem:s15+$0xFFFFFFD0] =	vst v12  }
0x6f: {  	v12 =	vld [tilespmem:s14+$0x30];
	[tilespmem:s15+$0x20] =	vst v7;
	s15 =	smov.u32 s9  }
0x70: {  	v6 =	vld [tilespmem:s14+$0x20];
	[tilespmem:s12+$0xFFFFFFF0] =	vst v11;
	v5 =	vmov v16  }
0x71: {  	v7 =	vld [tilespmem:s14+$0x10];
	[tilespmem:s12+$0x0] =	vst v8  }
0x72: {  	v11 =	vld [tilespmem:s14+$0x0];
	[tilespmem:s12+$0xFFFFFFE0] =	vst v9  }
0x73: {  	v8 =	vand.u32 $0xFF, v14;
	v15 =	vld [tilespmem:s14+$0xFFFFFFF0];
	[tilespmem:s12+$0x20] =	vst v13  }
0x74: {  	v9 =	vor.u32 $0x100, v8;
	v13 =	vld [tilespmem:s14+$0xFFFFFFE0];
	v16 =	vand.u32 $0xFF, v12;
	[tilespmem:s12+$0xFFFFFFD0] =	vst v10;
	s12 =	smov.u32 s13  }
0x75: {  	v18 =	vld [tilespmem:s14+$0xFFFFFFD0];
	v10 =	vand.u32 $0xFF, v6;
	v19 =	vor.u32 $0x100, v16  }
0x76: {  	v20 =	vand.u32 $0xFF, v7;
	v21 =	vor.u32 $0x100, v10;
	v22 =	vld [tilespmem:s19+$0x30]  }
0x77: {  	v23 =	vld [tilespmem:s19+$0xFFFFFFC0];
	v24 =	vand.u32 $0xFF, v11;
	v25 =	vor.u32 $0x100, v20  }
0x78: {  	v8 =	vld.idx.msk [tilespmem:v8+s4+$0x0], $0xffff;
	v26 =	vand.u32 $0xFF, v15;
	v27 =	vor.u32 $0x100, v24  }
0x79: {  	v28 =	vand.u32 $0xFF, v13;
	v16 =	vld.idx.msk [tilespmem:v16+s4+$0x0], $0xffff  }
0x7a: {  	v14 =	vshrl.u32 v14, $0x8;
	v9 =	vld.idx.msk [tilespmem:v9+s4+$0x0], $0xffff;
	v29 =	vand.u32 $0xFF, v18;
	v30 =	vor.u32 $0x100, v28  }
0x7b: {  	v12 =	vshrl.u32 v12, $0x8;
	v31 =	vor.u32 $0x100, v26;
	[tilespmem:s11+$0xFFFFFFC0] =	vst v14;
	v14 =	vor.u32 $0x100, v29;
	v19 =	vld.idx.msk [tilespmem:v19+s4+$0x0], $0xffff  }
0x7c: {  	v10 =	vld.idx.msk [tilespmem:v10+s4+$0x0], $0xffff;
	[tilespmem:s11+$0x30] =	vst v12  }
0x7d: {  	v12 =	vld.idx.msk [tilespmem:v20+s4+$0x0], $0xffff  }
0x7e: {  	v7 =	vshrl.u32 v7, $0x8;
	v8 =	vmul.f32 v8, v23;
	v20 =	vld.idx.msk [tilespmem:v25+s4+$0x0], $0xffff  }
0x7f: {  	v24 =	vld.idx.msk [tilespmem:v24+s4+$0x0], $0xffff;
	[tilespmem:s11+$0x10] =	vst v7;
	v7 =	vmul.f32 v16, v22  }
0x80: {  	[tilespmem:s9+$0xFFFFFFC0] =	vst v8;
	v8 =	vmul.f32 v9, v23;
	v23 =	vld.idx.msk [tilespmem:v26+s4+$0x0], $0xffff  }
0x81: {  	v16 =	vmul.f32 v19, v22;
	v25 =	vld.idx.msk [tilespmem:v28+s4+$0x0], $0xffff;
	[tilespmem:s9+$0x30] =	vst v7  }
0x82: {  	v19 =	vshrl.u32 v11, $0x8;
	v7 =	vmul.f32 v10, v3;
	[tilespmem:s13+$0xFFFFFFC0] =	vst v8;
	v8 =	vld.idx.msk [tilespmem:v27+s4+$0x0], $0xffff  }
.Ltmp1:
0x83: {  	v10 =	vshrl.u32 v13, $0x8;
	v13 =	vmul.f32 v12, v17;
	v9 =	vld.idx.msk [tilespmem:v30+s4+$0x0], $0xffff;
	[tilespmem:s13+$0x30] =	vst v16;
	(pc) =	sbr.rel @p0 .LBB2_4-.Ltmp1, $4  }
0x84: {  	v15 =	vshrl.u32 v15, $0x8;
	v17 =	vmul.f32 v20, v17;
	[tilespmem:s11+$0xFFFFFFE0] =	vst v10;
	v11 =	vld.idx.msk [tilespmem:v31+s4+$0x0], $0xffff  }
0x85: {  	v16 =	vmul.f32 v24, v5;
	v12 =	vld.idx.msk [tilespmem:v29+s4+$0x0], $0xffff;
	[tilespmem:s11+$0x0] =	vst v19  }
0x86: {  	v10 =	vld.idx.msk [tilespmem:v14+s4+$0x0], $0xffff;
	[tilespmem:s11+$0xFFFFFFF0] =	vst v15;
	v14 =	vmul.f32 v23, v4  }
0x87: {  	s19 =	sadd.s32 $0x80, s19;
	v18 =	vshrl.u32 v18, $0x8;
	s9 =	sadd.s32 $0x80, s9;
	s13 =	sadd.s32 $0x80, s13;
	v15 =	vmul.f32 v25, v1;
	[tilespmem:s15+$0x10] =	vst v13;
	v13 =	vld.idx.msk [tilespmem:v21+s4+$0x0], $0xffff  }
0x88: {  	[tilespmem:s12+$0x10] =	vst v17  }
0x89: {  	[tilespmem:s8+$0xFFFFFFD0] =	vst v18  }
0x8a: {  	[tilespmem:s15+$0x0] =	vst v16  }
0x8b: {  	v6 =	vshrl.u32 v6, $0x8;
	[tilespmem:s15+$0xFFFFFFF0] =	vst v14  }
0x8c: {  	[tilespmem:s8+$0x20] =	vst v6  }
0x8d: {  	v5 =	vmul.f32 v8, v5;
	[tilespmem:s15+$0xFFFFFFE0] =	vst v15  }
0x8e: {  	v1 =	vmul.f32 v9, v1;
	[tilespmem:s15+$0x20] =	vst v7  }
0x8f: {  	v4 =	vmul.f32 v11, v4;
	[tilespmem:s12+$0x0] =	vst v5  }
0x90: {  	v6 =	vmul.f32 v12, v2;
	[tilespmem:s12+$0xFFFFFFE0] =	vst v1  }
0x91: {  	[tilespmem:s12+$0xFFFFFFF0] =	vst v4;
	v2 =	vmul.f32 v10, v2  }
0x92: {  	[tilespmem:s15+$0xFFFFFFD0] =	vst v6;
	v3 =	vmul.f32 v13, v3  }
0x93: {  	[tilespmem:s12+$0xFFFFFFD0] =	vst v2  }
0x94: {  	[tilespmem:s12+$0x20] =	vst v3  }
0x95: {  	[spmem:s2] =	stream.indirect.scatter.add.f32 [tilespmem:s22], [sflag:$0x1], $0x1, s26, s25, $0xb8;
	[tilespmem:$0x7200] =	vst v63  }
0x96: {  	_ = 	snop  }
0x97: {  	[spmem:s3] =	stream.indirect.scatter.add.f32 [tilespmem:s28], [sflag:$0x1], $0x1, s26, s25, $0xb8;
	[tilespmem:$0x7200] =	vst v63  }
0x98: {  	s8 =	rddreg [dreg:$0xb]  }
0x99: {  	[tilespmem:s29], [sflag:$0x3] =	stream.linear.gather [hbm4b:s8+s4], $0x800, $0x38;
	[tilespmem:$0x7200] =	vst v63  }
0x9a: {  	_ =	swait.ge [sflag:s21], $0x800  }
0x9b: {  	[sflag:s21] =	ssyncset.done $0x0  }
0x9c: {  	s20 =	rddreg [dreg:$0xc];
	[sflag:s21] =	ssyncadd.s32 $0xFFFFF800  }
0x9d: {  	[tilespmem:s30], [sflag:$0x3] =	stream.linear.gather [hbm4b:s20+s4], $0x800, $0x38;
	[tilespmem:$0x7200] =	vst v63  }
0x9e: {  	_ =	swait.ge [sflag:s21], $0x800  }
0x9f: {  	[sflag:s21] =	ssyncset.done $0x0  }
0xa0: {  	s23 =	simm.s32 $0x3A40;
	[sflag:s21] =	ssyncadd.s32 $0xFFFFF800  }
0xa1: {  	v2 =	vld [tilespmem:s23+$0xFFFFFFD0]  }
0xa2: {  	v1 =	vld [tilespmem:s23+$0xFFFFFFE0]  }
0xa3: {  	v4 =	vld [tilespmem:s23+$0xFFFFFFF0]  }
0xa4: {  	v5 =	vld [tilespmem:s23+$0x0]  }
0xa5: {  	v10 =	vld [tilespmem:s23+$0x10]  }
0xa6: {  	s14 =	simm.s32 $0x2A40;
	v3 =	vld [tilespmem:s23+$0x20]  }
0xa7: {  	v7 =	vld [tilespmem:s14+$0xFFFFFFC0]  }
0xa8: {  	v8 =	vld [tilespmem:s14+$0x30]  }
0xa9: {  	v6 =	vld [tilespmem:s14+$0x20]  }
0xaa: {  	v9 =	vld [tilespmem:s14+$0x10]  }
0xab: {  	v11 =	vld [tilespmem:s14+$0x0]  }
0xac: {  	v13 =	vld [tilespmem:s14+$0xFFFFFFF0];
	v12 =	vand.u32 $0xFF, v7  }
0xad: {  	v14 =	vld [tilespmem:s14+$0xFFFFFFE0];
	v15 =	vand.u32 $0xFF, v8  }
0xae: {  	v18 =	vld [tilespmem:s14+$0xFFFFFFD0];
	v20 =	vand.u32 $0xFF, v6  }
0xaf: {  	v19 =	vld [tilespmem:s23+$0x30];
	v16 =	vor.u32 $0x100, v12  }
0xb0: {  	v21 =	vld [tilespmem:s23+$0xFFFFFFC0];
	v17 =	vor.u32 $0x100, v15  }
0xb1: {  	v22 =	vand.u32 $0xFF, v9;
	v12 =	vld.idx.msk [tilespmem:v12+s4+$0x0], $0xffff  }
0xb2: {  	v24 =	vand.u32 $0xFF, v11;
	v15 =	vld.idx.msk [tilespmem:v15+s4+$0x0], $0xffff  }
0xb3: {  	v23 =	vor.u32 $0x100, v22;
	v27 =	vld.idx.msk [tilespmem:v20+s4+$0x0], $0xffff  }
0xb4: {  	v25 =	vand.u32 $0xFF, v13;
	v16 =	vld.idx.msk [tilespmem:v16+s4+$0x0], $0xffff  }
0xb5: {  	s11 =	simm.s32 $0x3240;
	v26 =	vand.u32 $0xFF, v14;
	v7 =	vshrl.u32 v7, $0x8;
	v17 =	vld.idx.msk [tilespmem:v17+s4+$0x0], $0xffff  }
0xb6: {  	v29 =	vor.u32 $0x100, v26;
	v22 =	vld.idx.msk [tilespmem:v22+s4+$0x0], $0xffff;
	[tilespmem:s11+$0xFFFFFFC0] =	vst v7;
	v7 =	vshrl.u32 v8, $0x8  }
0xb7: {  	v28 =	vor.u32 $0x100, v24;
	v24 =	vld.idx.msk [tilespmem:v24+s4+$0x0], $0xffff;
	v8 =	vshrl.u32 v9, $0x8;
	[tilespmem:s11+$0x30] =	vst v7;
	v7 =	vmul.f32 v12, v21  }
0xb8: {  	s15 =	simm.s32 $0x4240;
	v23 =	vld.idx.msk [tilespmem:v23+s4+$0x0], $0xffff;
	[tilespmem:s11+$0x10] =	vst v8;
	v12 =	vor.u32 $0x100, v25;
	v8 =	vmul.f32 v15, v19  }
0xb9: {  	v62 =	vld.idx.msk [tilespmem:v25+s4+$0x0], $0xffff;
	v15 =	vand.u32 $0xFF, v18;
	[tilespmem:s15+$0xFFFFFFC0] =	vst v7;
	v7 =	vmul.f32 v16, v21  }
0xba: {  	s12 =	simm.s32 $0x4A40;
	v26 =	vld.idx.msk [tilespmem:v26+s4+$0x0], $0xffff;
	v63 =	vor.u32 $0x100, v15;
	[tilespmem:s15+$0x30] =	vst v8;
	v16 =	vmul.f32 v17, v19  }
0xbb: {  	v9 =	vld.idx.msk [tilespmem:v29+s4+$0x0], $0xffff;
	v19 =	vor.u32 $0x100, v20;
	v20 =	vmul.f32 v22, v10;
	[tilespmem:s12+$0xFFFFFFC0] =	vst v7  }
0xbc: {  	v8 =	vld.idx.msk [tilespmem:v28+s4+$0x0], $0xffff;
	[tilespmem:s12+$0x30] =	vst v16  }
0xbd: {  	v7 =	vshrl.u32 v14, $0x8;
	v14 =	vshrl.u32 v11, $0x8;
	[tilespmem:s15+$0x10] =	vst v20;
	v11 =	vld.idx.msk [tilespmem:v12+s4+$0x0], $0xffff  }
0xbe: {  	v17 =	vmul.f32 v23, v10;
	[tilespmem:s11+$0xFFFFFFE0] =	vst v7;
	v12 =	vld.idx.msk [tilespmem:v15+s4+$0x0], $0xffff  }
0xbf: {  	s18 =	simm.s32 $0x0;
	s19 =	simm.s32 $0x3AC0;
	v13 =	vshrl.u32 v13, $0x8;
	v16 =	vmul.f32 v24, v5;
	v7 =	vmul.f32 v27, v3;
	[tilespmem:s11+$0x0] =	vst v14;
	v10 =	vld.idx.msk [tilespmem:v63+s4+$0x0], $0xffff  }
0xc0: {  	s9 =	simm.s32 $0x42C0;
	s13 =	simm.s32 $0x4AC0;
	s8 =	simm.s32 $0x3240;
	v18 =	vshrl.u32 v18, $0x8;
	[tilespmem:s11+$0xFFFFFFF0] =	vst v13;
	v14 =	vmul.f32 v62, v4;
	v15 =	vmul.f32 v26, v1;
	v13 =	vld.idx.msk [tilespmem:v19+s4+$0x0], $0xffff  }
.LBB2_6:
0xc1: {  	v19 =	vld [tilespmem:s19+$0xFFFFFFD0];
	s18 =	sadd.s32 $0x8, s18;
	[tilespmem:s12+$0x10] =	vst v17;
	s14 =	sadd.s32 $0x80, s14;
	s11 =	sadd.s32 $0x80, s11  }
0xc2: {  	v9 =	vmul.f32 v9, v1;
	p0 =	slt.u32 s18, $0x78;
	[tilespmem:s8+$0xFFFFFFD0] =	vst v18;
	v1 =	vld [tilespmem:s19+$0xFFFFFFE0]  }
0xc3: {  	v6 =	vshrl.u32 v6, $0x8;
	v11 =	vmul.f32 v11, v4;
	v4 =	vld [tilespmem:s19+$0xFFFFFFF0];
	[tilespmem:s15+$0x0] =	vst v16  }
0xc4: {  	v12 =	vmul.f32 v12, v2;
	v16 =	vld [tilespmem:s19+$0x0];
	[tilespmem:s8+$0x20] =	vst v6;
	s8 =	smov.u32 s11  }
0xc5: {  	v8 =	vmul.f32 v8, v5;
	v10 =	vmul.f32 v10, v2;
	v17 =	vld [tilespmem:s19+$0x10];
	[tilespmem:s15+$0xFFFFFFF0] =	vst v14  }
0xc6: {  	v13 =	vmul.f32 v13, v3;
	[tilespmem:s15+$0xFFFFFFE0] =	vst v15;
	v3 =	vld [tilespmem:s19+$0x20];
	v2 =	vmov v19  }
0xc7: {  	v14 =	vld [tilespmem:s14+$0xFFFFFFC0];
	[tilespmem:s15+$0xFFFFFFD0] =	vst v12  }
0xc8: {  	v12 =	vld [tilespmem:s14+$0x30];
	[tilespmem:s15+$0x20] =	vst v7;
	s15 =	smov.u32 s9  }
0xc9: {  	v6 =	vld [tilespmem:s14+$0x20];
	[tilespmem:s12+$0xFFFFFFF0] =	vst v11;
	v5 =	vmov v16  }
0xca: {  	v7 =	vld [tilespmem:s14+$0x10];
	[tilespmem:s12+$0x0] =	vst v8  }
0xcb: {  	v11 =	vld [tilespmem:s14+$0x0];
	[tilespmem:s12+$0xFFFFFFE0] =	vst v9  }
0xcc: {  	v8 =	vand.u32 $0xFF, v14;
	v15 =	vld [tilespmem:s14+$0xFFFFFFF0];
	[tilespmem:s12+$0x20] =	vst v13  }
0xcd: {  	v9 =	vor.u32 $0x100, v8;
	v13 =	vld [tilespmem:s14+$0xFFFFFFE0];
	v16 =	vand.u32 $0xFF, v12;
	[tilespmem:s12+$0xFFFFFFD0] =	vst v10;
	s12 =	smov.u32 s13  }
0xce: {  	v18 =	vld [tilespmem:s14+$0xFFFFFFD0];
	v10 =	vand.u32 $0xFF, v6;
	v19 =	vor.u32 $0x100, v16  }
0xcf: {  	v20 =	vand.u32 $0xFF, v7;
	v21 =	vor.u32 $0x100, v10;
	v22 =	vld [tilespmem:s19+$0x30]  }
0xd0: {  	v23 =	vld [tilespmem:s19+$0xFFFFFFC0];
	v24 =	vand.u32 $0xFF, v11;
	v25 =	vor.u32 $0x100, v20  }
0xd1: {  	v8 =	vld.idx.msk [tilespmem:v8+s4+$0x0], $0xffff;
	v26 =	vand.u32 $0xFF, v15;
	v27 =	vor.u32 $0x100, v24  }
0xd2: {  	v28 =	vand.u32 $0xFF, v13;
	v16 =	vld.idx.msk [tilespmem:v16+s4+$0x0], $0xffff  }
0xd3: {  	v14 =	vshrl.u32 v14, $0x8;
	v9 =	vld.idx.msk [tilespmem:v9+s4+$0x0], $0xffff;
	v29 =	vand.u32 $0xFF, v18;
	v30 =	vor.u32 $0x100, v28  }
0xd4: {  	v12 =	vshrl.u32 v12, $0x8;
	v31 =	vor.u32 $0x100, v26;
	[tilespmem:s11+$0xFFFFFFC0] =	vst v14;
	v14 =	vor.u32 $0x100, v29;
	v19 =	vld.idx.msk [tilespmem:v19+s4+$0x0], $0xffff  }
0xd5: {  	v10 =	vld.idx.msk [tilespmem:v10+s4+$0x0], $0xffff;
	[tilespmem:s11+$0x30] =	vst v12  }
0xd6: {  	v12 =	vld.idx.msk [tilespmem:v20+s4+$0x0], $0xffff  }
0xd7: {  	v7 =	vshrl.u32 v7, $0x8;
	v8 =	vmul.f32 v8, v23;
	v20 =	vld.idx.msk [tilespmem:v25+s4+$0x0], $0xffff  }
0xd8: {  	v24 =	vld.idx.msk [tilespmem:v24+s4+$0x0], $0xffff;
	[tilespmem:s11+$0x10] =	vst v7;
	v7 =	vmul.f32 v16, v22  }
0xd9: {  	[tilespmem:s9+$0xFFFFFFC0] =	vst v8;
	v8 =	vmul.f32 v9, v23;
	v23 =	vld.idx.msk [tilespmem:v26+s4+$0x0], $0xffff  }
0xda: {  	v16 =	vmul.f32 v19, v22;
	v25 =	vld.idx.msk [tilespmem:v28+s4+$0x0], $0xffff;
	[tilespmem:s9+$0x30] =	vst v7  }
0xdb: {  	v19 =	vshrl.u32 v11, $0x8;
	v7 =	vmul.f32 v10, v3;
	[tilespmem:s13+$0xFFFFFFC0] =	vst v8;
	v8 =	vld.idx.msk [tilespmem:v27+s4+$0x0], $0xffff  }
.Ltmp2:
0xdc: {  	v10 =	vshrl.u32 v13, $0x8;
	v13 =	vmul.f32 v12, v17;
	v9 =	vld.idx.msk [tilespmem:v30+s4+$0x0], $0xffff;
	[tilespmem:s13+$0x30] =	vst v16;
	(pc) =	sbr.rel @p0 .LBB2_6-.Ltmp2, $4  }
0xdd: {  	v15 =	vshrl.u32 v15, $0x8;
	v17 =	vmul.f32 v20, v17;
	[tilespmem:s11+$0xFFFFFFE0] =	vst v10;
	v11 =	vld.idx.msk [tilespmem:v31+s4+$0x0], $0xffff  }
0xde: {  	v16 =	vmul.f32 v24, v5;
	v12 =	vld.idx.msk [tilespmem:v29+s4+$0x0], $0xffff;
	[tilespmem:s11+$0x0] =	vst v19  }
0xdf: {  	v10 =	vld.idx.msk [tilespmem:v14+s4+$0x0], $0xffff;
	[tilespmem:s11+$0xFFFFFFF0] =	vst v15;
	v14 =	vmul.f32 v23, v4  }
0xe0: {  	s19 =	sadd.s32 $0x80, s19;
	v18 =	vshrl.u32 v18, $0x8;
	s9 =	sadd.s32 $0x80, s9;
	s13 =	sadd.s32 $0x80, s13;
	v15 =	vmul.f32 v25, v1;
	[tilespmem:s15+$0x10] =	vst v13;
	v13 =	vld.idx.msk [tilespmem:v21+s4+$0x0], $0xffff  }
0xe1: {  	[tilespmem:s12+$0x10] =	vst v17  }
0xe2: {  	[tilespmem:s8+$0xFFFFFFD0] =	vst v18  }
0xe3: {  	[tilespmem:s15+$0x0] =	vst v16  }
0xe4: {  	v6 =	vshrl.u32 v6, $0x8;
	[tilespmem:s15+$0xFFFFFFF0] =	vst v14  }
0xe5: {  	[tilespmem:s8+$0x20] =	vst v6  }
0xe6: {  	v5 =	vmul.f32 v8, v5;
	[tilespmem:s15+$0xFFFFFFE0] =	vst v15  }
0xe7: {  	v1 =	vmul.f32 v9, v1;
	[tilespmem:s15+$0x20] =	vst v7  }
0xe8: {  	v4 =	vmul.f32 v11, v4;
	[tilespmem:s12+$0x0] =	vst v5  }
0xe9: {  	v63 =	vmul.f32 v12, v2;
	[tilespmem:s12+$0xFFFFFFE0] =	vst v1  }
0xea: {  	[tilespmem:s12+$0xFFFFFFF0] =	vst v4;
	v2 =	vmul.f32 v10, v2  }
0xeb: {  	[tilespmem:s15+$0xFFFFFFD0] =	vst v63;
	v3 =	vmul.f32 v13, v3  }
0xec: {  	[tilespmem:s12+$0xFFFFFFD0] =	vst v2  }
0xed: {  	[tilespmem:s12+$0x20] =	vst v3  }
0xee: {  	[spmem:s2] =	stream.indirect.scatter.add.f32 [tilespmem:s0], [sflag:$0x2], $0x1, s31, s25, $0xb8;
	[tilespmem:$0x7200] =	vst v63  }
0xef: {  	s14 =	simm.s32 $0x0  }
0xf0: {  	[spmem:s3] =	stream.indirect.scatter.add.f32 [tilespmem:s1], [sflag:$0x2], $0x1, s31, s25, $0xb8;
	[tilespmem:$0x7200] =	vst v63  }
.LBB2_8:
0xf1: {  	_ =	swait.ge [sflag:s5], $0x800  }
0xf2: {  	[sflag:s5] =	ssyncset.done $0x0  }
0xf3: {  	s15 =	sshll.u32 s14, $0xC;
	[sflag:s5] =	ssyncadd.s32 $0xFFFFF800  }
0xf4: {  	s8 =	sadd.s32 s15, s16;
	_ =	swait.ge [sflag:s5], $0x800  }
0xf5: {  	s8 =	sshrl.u32 s8, $0x3;
	[sflag:s5] =	ssyncset.done $0x0  }
0xf6: {  	s11 =	simm.s32 $0x200;
	s9 =	sadd.s32 s6, s8;
	[sflag:s5] =	ssyncadd.s32 $0xFFFFF800  }
0xf7: {  	[tilespmem:s11], [sflag:$0x3] =	stream.linear.gather [hbm4b:s9+s4], $0x800, $0x38;
	[tilespmem:$0x7200] =	vst v63  }
0xf8: {  	_ =	swait.ge [sflag:s21], $0x800  }
0xf9: {  	[sflag:s21] =	ssyncset.done $0x0  }
0xfa: {  	s8 =	sadd.s32 s7, s8;
	[sflag:s21] =	ssyncadd.s32 $0xFFFFF800  }
0xfb: {  	[tilespmem:s24], [sflag:$0x3] =	stream.linear.gather [hbm4b:s8+s4], $0x800, $0x38;
	[tilespmem:$0x7200] =	vst v63  }
0xfc: {  	_ =	swait.ge [sflag:s21], $0x800  }
0xfd: {  	[sflag:s21] =	ssyncset.done $0x0  }
0xfe: {  	s23 =	simm.s32 $0x1240;
	[sflag:s21] =	ssyncadd.s32 $0xFFFFF800  }
0xff: {  	v2 =	vld [tilespmem:s23+$0xFFFFFFD0]  }
0x100: {  	v1 =	vld [tilespmem:s23+$0xFFFFFFE0]  }
0x101: {  	v4 =	vld [tilespmem:s23+$0xFFFFFFF0]  }
0x102: {  	v5 =	vld [tilespmem:s23+$0x0]  }
0x103: {  	v10 =	vld [tilespmem:s23+$0x10]  }
0x104: {  	s11 =	simm.s32 $0x240;
	v3 =	vld [tilespmem:s23+$0x20]  }
0x105: {  	v7 =	vld [tilespmem:s11+$0xFFFFFFC0]  }
0x106: {  	v8 =	vld [tilespmem:s11+$0x30]  }
0x107: {  	v6 =	vld [tilespmem:s11+$0x20]  }
0x108: {  	v9 =	vld [tilespmem:s11+$0x10]  }
0x109: {  	v11 =	vld [tilespmem:s11+$0x0]  }
0x10a: {  	v13 =	vld [tilespmem:s11+$0xFFFFFFF0];
	v12 =	vand.u32 $0xFF, v7  }
0x10b: {  	v14 =	vld [tilespmem:s11+$0xFFFFFFE0];
	v15 =	vand.u32 $0xFF, v8  }
0x10c: {  	v18 =	vld [tilespmem:s11+$0xFFFFFFD0];
	v20 =	vand.u32 $0xFF, v6  }
0x10d: {  	v19 =	vld [tilespmem:s23+$0x30];
	v16 =	vor.u32 $0x100, v12  }
0x10e: {  	v21 =	vld [tilespmem:s23+$0xFFFFFFC0];
	v17 =	vor.u32 $0x100, v15  }
0x10f: {  	v22 =	vand.u32 $0xFF, v9;
	v12 =	vld.idx.msk [tilespmem:v12+s4+$0x0], $0xffff  }
0x110: {  	v24 =	vand.u32 $0xFF, v11;
	v15 =	vld.idx.msk [tilespmem:v15+s4+$0x0], $0xffff  }
0x111: {  	v23 =	vor.u32 $0x100, v22;
	v27 =	vld.idx.msk [tilespmem:v20+s4+$0x0], $0xffff  }
0x112: {  	v25 =	vand.u32 $0xFF, v13;
	v16 =	vld.idx.msk [tilespmem:v16+s4+$0x0], $0xffff  }
0x113: {  	s18 =	simm.s32 $0xA40;
	v26 =	vand.u32 $0xFF, v14;
	v7 =	vshrl.u32 v7, $0x8;
	v17 =	vld.idx.msk [tilespmem:v17+s4+$0x0], $0xffff  }
0x114: {  	v29 =	vor.u32 $0x100, v26;
	v22 =	vld.idx.msk [tilespmem:v22+s4+$0x0], $0xffff;
	[tilespmem:s18+$0xFFFFFFC0] =	vst v7;
	v7 =	vshrl.u32 v8, $0x8  }
0x115: {  	v28 =	vor.u32 $0x100, v24;
	v24 =	vld.idx.msk [tilespmem:v24+s4+$0x0], $0xffff;
	v8 =	vshrl.u32 v9, $0x8;
	[tilespmem:s18+$0x30] =	vst v7;
	v7 =	vmul.f32 v12, v21  }
0x116: {  	s12 =	simm.s32 $0x1A40;
	v23 =	vld.idx.msk [tilespmem:v23+s4+$0x0], $0xffff;
	[tilespmem:s18+$0x10] =	vst v8;
	v12 =	vor.u32 $0x100, v25;
	v8 =	vmul.f32 v15, v19  }
0x117: {  	v62 =	vld.idx.msk [tilespmem:v25+s4+$0x0], $0xffff;
	v15 =	vand.u32 $0xFF, v18;
	[tilespmem:s12+$0xFFFFFFC0] =	vst v7;
	v7 =	vmul.f32 v16, v21  }
0x118: {  	s19 =	simm.s32 $0x2240;
	v26 =	vld.idx.msk [tilespmem:v26+s4+$0x0], $0xffff;
	v63 =	vor.u32 $0x100, v15;
	[tilespmem:s12+$0x30] =	vst v8;
	v16 =	vmul.f32 v17, v19  }
0x119: {  	v9 =	vld.idx.msk [tilespmem:v29+s4+$0x0], $0xffff;
	v19 =	vor.u32 $0x100, v20;
	v20 =	vmul.f32 v22, v10;
	[tilespmem:s19+$0xFFFFFFC0] =	vst v7  }
0x11a: {  	v8 =	vld.idx.msk [tilespmem:v28+s4+$0x0], $0xffff;
	[tilespmem:s19+$0x30] =	vst v16  }
0x11b: {  	v7 =	vshrl.u32 v14, $0x8;
	v14 =	vshrl.u32 v11, $0x8;
	[tilespmem:s12+$0x10] =	vst v20;
	v11 =	vld.idx.msk [tilespmem:v12+s4+$0x0], $0xffff  }
0x11c: {  	v17 =	vmul.f32 v23, v10;
	[tilespmem:s18+$0xFFFFFFE0] =	vst v7;
	v12 =	vld.idx.msk [tilespmem:v15+s4+$0x0], $0xffff  }
0x11d: {  	s20 =	simm.s32 $0x0;
	s13 =	simm.s32 $0x1AC0;
	v13 =	vshrl.u32 v13, $0x8;
	v16 =	vmul.f32 v24, v5;
	v7 =	vmul.f32 v27, v3;
	[tilespmem:s18+$0x0] =	vst v14;
	v10 =	vld.idx.msk [tilespmem:v63+s4+$0x0], $0xffff  }
0x11e: {  	s9 =	simm.s32 $0xA40;
	s8 =	simm.s32 $0x12C0;
	s23 =	simm.s32 $0x22C0;
	v18 =	vshrl.u32 v18, $0x8;
	[tilespmem:s18+$0xFFFFFFF0] =	vst v13;
	v14 =	vmul.f32 v62, v4;
	v15 =	vmul.f32 v26, v1;
	v13 =	vld.idx.msk [tilespmem:v19+s4+$0x0], $0xffff  }
.LBB2_9:
0x11f: {  	v19 =	vld [tilespmem:s8+$0xFFFFFFD0];
	s20 =	sadd.s32 $0x8, s20;
	[tilespmem:s19+$0x10] =	vst v17;
	s11 =	sadd.s32 $0x80, s11;
	s18 =	sadd.s32 $0x80, s18  }
0x120: {  	v9 =	vmul.f32 v9, v1;
	p0 =	slt.u32 s20, $0x78;
	[tilespmem:s9+$0xFFFFFFD0] =	vst v18;
	v1 =	vld [tilespmem:s8+$0xFFFFFFE0]  }
0x121: {  	v6 =	vshrl.u32 v6, $0x8;
	v11 =	vmul.f32 v11, v4;
	v4 =	vld [tilespmem:s8+$0xFFFFFFF0];
	[tilespmem:s12+$0x0] =	vst v16  }
0x122: {  	v12 =	vmul.f32 v12, v2;
	v16 =	vld [tilespmem:s8+$0x0];
	[tilespmem:s9+$0x20] =	vst v6;
	s9 =	smov.u32 s18  }
0x123: {  	v8 =	vmul.f32 v8, v5;
	v10 =	vmul.f32 v10, v2;
	v17 =	vld [tilespmem:s8+$0x10];
	[tilespmem:s12+$0xFFFFFFF0] =	vst v14  }
0x124: {  	v13 =	vmul.f32 v13, v3;
	[tilespmem:s12+$0xFFFFFFE0] =	vst v15;
	v3 =	vld [tilespmem:s8+$0x20];
	v2 =	vmov v19  }
0x125: {  	v14 =	vld [tilespmem:s11+$0xFFFFFFC0];
	[tilespmem:s12+$0xFFFFFFD0] =	vst v12  }
0x126: {  	v12 =	vld [tilespmem:s11+$0x30];
	[tilespmem:s12+$0x20] =	vst v7;
	s12 =	smov.u32 s13  }
0x127: {  	v6 =	vld [tilespmem:s11+$0x20];
	[tilespmem:s19+$0xFFFFFFF0] =	vst v11;
	v5 =	vmov v16  }
0x128: {  	v7 =	vld [tilespmem:s11+$0x10];
	[tilespmem:s19+$0x0] =	vst v8  }
0x129: {  	v11 =	vld [tilespmem:s11+$0x0];
	[tilespmem:s19+$0xFFFFFFE0] =	vst v9  }
0x12a: {  	v8 =	vand.u32 $0xFF, v14;
	v15 =	vld [tilespmem:s11+$0xFFFFFFF0];
	[tilespmem:s19+$0x20] =	vst v13  }
0x12b: {  	v9 =	vor.u32 $0x100, v8;
	v13 =	vld [tilespmem:s11+$0xFFFFFFE0];
	v16 =	vand.u32 $0xFF, v12;
	[tilespmem:s19+$0xFFFFFFD0] =	vst v10;
	s19 =	smov.u32 s23  }
0x12c: {  	v18 =	vld [tilespmem:s11+$0xFFFFFFD0];
	v10 =	vand.u32 $0xFF, v6;
	v19 =	vor.u32 $0x100, v16  }
0x12d: {  	v20 =	vand.u32 $0xFF, v7;
	v21 =	vor.u32 $0x100, v10;
	v22 =	vld [tilespmem:s8+$0x30]  }
0x12e: {  	v23 =	vld [tilespmem:s8+$0xFFFFFFC0];
	v24 =	vand.u32 $0xFF, v11;
	v25 =	vor.u32 $0x100, v20  }
0x12f: {  	v8 =	vld.idx.msk [tilespmem:v8+s4+$0x0], $0xffff;
	v26 =	vand.u32 $0xFF, v15;
	v27 =	vor.u32 $0x100, v24  }
0x130: {  	v28 =	vand.u32 $0xFF, v13;
	v16 =	vld.idx.msk [tilespmem:v16+s4+$0x0], $0xffff  }
0x131: {  	v14 =	vshrl.u32 v14, $0x8;
	v9 =	vld.idx.msk [tilespmem:v9+s4+$0x0], $0xffff;
	v29 =	vand.u32 $0xFF, v18;
	v30 =	vor.u32 $0x100, v28  }
0x132: {  	v12 =	vshrl.u32 v12, $0x8;
	v31 =	vor.u32 $0x100, v26;
	[tilespmem:s18+$0xFFFFFFC0] =	vst v14;
	v14 =	vor.u32 $0x100, v29;
	v19 =	vld.idx.msk [tilespmem:v19+s4+$0x0], $0xffff  }
0x133: {  	v10 =	vld.idx.msk [tilespmem:v10+s4+$0x0], $0xffff;
	[tilespmem:s18+$0x30] =	vst v12  }
0x134: {  	v12 =	vld.idx.msk [tilespmem:v20+s4+$0x0], $0xffff  }
0x135: {  	v7 =	vshrl.u32 v7, $0x8;
	v8 =	vmul.f32 v8, v23;
	v20 =	vld.idx.msk [tilespmem:v25+s4+$0x0], $0xffff  }
0x136: {  	v24 =	vld.idx.msk [tilespmem:v24+s4+$0x0], $0xffff;
	[tilespmem:s18+$0x10] =	vst v7;
	v7 =	vmul.f32 v16, v22  }
0x137: {  	[tilespmem:s13+$0xFFFFFFC0] =	vst v8;
	v8 =	vmul.f32 v9, v23;
	v23 =	vld.idx.msk [tilespmem:v26+s4+$0x0], $0xffff  }
0x138: {  	v16 =	vmul.f32 v19, v22;
	v25 =	vld.idx.msk [tilespmem:v28+s4+$0x0], $0xffff;
	[tilespmem:s13+$0x30] =	vst v7  }
0x139: {  	v19 =	vshrl.u32 v11, $0x8;
	v7 =	vmul.f32 v10, v3;
	[tilespmem:s23+$0xFFFFFFC0] =	vst v8;
	v8 =	vld.idx.msk [tilespmem:v27+s4+$0x0], $0xffff  }
.Ltmp3:
0x13a: {  	v10 =	vshrl.u32 v13, $0x8;
	v13 =	vmul.f32 v12, v17;
	v9 =	vld.idx.msk [tilespmem:v30+s4+$0x0], $0xffff;
	[tilespmem:s23+$0x30] =	vst v16;
	(pc) =	sbr.rel @p0 .LBB2_9-.Ltmp3, $4  }
0x13b: {  	v15 =	vshrl.u32 v15, $0x8;
	v17 =	vmul.f32 v20, v17;
	[tilespmem:s18+$0xFFFFFFE0] =	vst v10;
	v11 =	vld.idx.msk [tilespmem:v31+s4+$0x0], $0xffff  }
0x13c: {  	v16 =	vmul.f32 v24, v5;
	v12 =	vld.idx.msk [tilespmem:v29+s4+$0x0], $0xffff;
	[tilespmem:s18+$0x0] =	vst v19  }
0x13d: {  	v10 =	vld.idx.msk [tilespmem:v14+s4+$0x0], $0xffff;
	[tilespmem:s18+$0xFFFFFFF0] =	vst v15;
	v14 =	vmul.f32 v23, v4  }
0x13e: {  	s8 =	sadd.s32 $0x80, s8;
	v18 =	vshrl.u32 v18, $0x8;
	s13 =	sadd.s32 $0x80, s13;
	s23 =	sadd.s32 $0x80, s23;
	v15 =	vmul.f32 v25, v1;
	[tilespmem:s12+$0x10] =	vst v13;
	v13 =	vld.idx.msk [tilespmem:v21+s4+$0x0], $0xffff  }
0x13f: {  	[tilespmem:s19+$0x10] =	vst v17  }
0x140: {  	[tilespmem:s9+$0xFFFFFFD0] =	vst v18  }
0x141: {  	[tilespmem:s12+$0x0] =	vst v16  }
0x142: {  	v6 =	vshrl.u32 v6, $0x8;
	[tilespmem:s12+$0xFFFFFFF0] =	vst v14  }
0x143: {  	[tilespmem:s9+$0x20] =	vst v6  }
0x144: {  	v5 =	vmul.f32 v8, v5;
	[tilespmem:s12+$0xFFFFFFE0] =	vst v15  }
0x145: {  	v1 =	vmul.f32 v9, v1;
	[tilespmem:s12+$0x20] =	vst v7  }
0x146: {  	v4 =	vmul.f32 v11, v4;
	[tilespmem:s19+$0x0] =	vst v5  }
0x147: {  	v6 =	vmul.f32 v12, v2;
	[tilespmem:s19+$0xFFFFFFE0] =	vst v1  }
0x148: {  	[tilespmem:s19+$0xFFFFFFF0] =	vst v4;
	v2 =	vmul.f32 v10, v2  }
0x149: {  	[tilespmem:s12+$0xFFFFFFD0] =	vst v6;
	v3 =	vmul.f32 v13, v3  }
0x14a: {  	[tilespmem:s19+$0xFFFFFFD0] =	vst v2  }
0x14b: {  	[tilespmem:s19+$0x20] =	vst v3  }
0x14c: {  	[spmem:s2] =	stream.indirect.scatter.add.f32 [tilespmem:s22], [sflag:$0x1], $0x1, s26, s25, $0xb8;
	[tilespmem:$0x7200] =	vst v63  }
0x14d: {  	_ = 	snop  }
0x14e: {  	[spmem:s3] =	stream.indirect.scatter.add.f32 [tilespmem:s28], [sflag:$0x1], $0x1, s26, s25, $0xb8;
	[tilespmem:$0x7200] =	vst v63  }
0x14f: {  	_ =	swait.ge [sflag:s10], $0x800  }
0x150: {  	[sflag:s10] =	ssyncset.done $0x0  }
0x151: {  	[sflag:s10] =	ssyncadd.s32 $0xFFFFF800  }
0x152: {  	s8 =	sadd.s32 s15, s17;
	_ =	swait.ge [sflag:s10], $0x800  }
0x153: {  	s8 =	sshrl.u32 s8, $0x3;
	[sflag:s10] =	ssyncset.done $0x0  }
0x154: {  	s20 =	sadd.s32 s6, s8;
	[sflag:s10] =	ssyncadd.s32 $0xFFFFF800  }
0x155: {  	[tilespmem:s29], [sflag:$0x3] =	stream.linear.gather [hbm4b:s20+s4], $0x800, $0x38;
	[tilespmem:$0x7200] =	vst v63  }
0x156: {  	_ =	swait.ge [sflag:s21], $0x800  }
0x157: {  	[sflag:s21] =	ssyncset.done $0x0  }
0x158: {  	s8 =	sadd.s32 s7, s8;
	[sflag:s21] =	ssyncadd.s32 $0xFFFFF800  }
0x159: {  	[tilespmem:s30], [sflag:$0x3] =	stream.linear.gather [hbm4b:s8+s4], $0x800, $0x38;
	[tilespmem:$0x7200] =	vst v63  }
0x15a: {  	_ =	swait.ge [sflag:s21], $0x800  }
0x15b: {  	[sflag:s21] =	ssyncset.done $0x0  }
0x15c: {  	s23 =	simm.s32 $0x3A40;
	[sflag:s21] =	ssyncadd.s32 $0xFFFFF800  }
0x15d: {  	v2 =	vld [tilespmem:s23+$0xFFFFFFD0]  }
0x15e: {  	v1 =	vld [tilespmem:s23+$0xFFFFFFE0]  }
0x15f: {  	v4 =	vld [tilespmem:s23+$0xFFFFFFF0]  }
0x160: {  	v5 =	vld [tilespmem:s23+$0x0]  }
0x161: {  	v10 =	vld [tilespmem:s23+$0x10]  }
0x162: {  	s11 =	simm.s32 $0x2A40;
	v3 =	vld [tilespmem:s23+$0x20]  }
0x163: {  	v7 =	vld [tilespmem:s11+$0xFFFFFFC0]  }
0x164: {  	v8 =	vld [tilespmem:s11+$0x30]  }
0x165: {  	v6 =	vld [tilespmem:s11+$0x20]  }
0x166: {  	v9 =	vld [tilespmem:s11+$0x10]  }
0x167: {  	v11 =	vld [tilespmem:s11+$0x0]  }
0x168: {  	v13 =	vld [tilespmem:s11+$0xFFFFFFF0];
	v12 =	vand.u32 $0xFF, v7  }
0x169: {  	v14 =	vld [tilespmem:s11+$0xFFFFFFE0];
	v15 =	vand.u32 $0xFF, v8  }
0x16a: {  	v18 =	vld [tilespmem:s11+$0xFFFFFFD0];
	v20 =	vand.u32 $0xFF, v6  }
0x16b: {  	v19 =	vld [tilespmem:s23+$0x30];
	v16 =	vor.u32 $0x100, v12  }
0x16c: {  	v21 =	vld [tilespmem:s23+$0xFFFFFFC0];
	v17 =	vor.u32 $0x100, v15  }
0x16d: {  	v22 =	vand.u32 $0xFF, v9;
	v12 =	vld.idx.msk [tilespmem:v12+s4+$0x0], $0xffff  }
0x16e: {  	v24 =	vand.u32 $0xFF, v11;
	v15 =	vld.idx.msk [tilespmem:v15+s4+$0x0], $0xffff  }
0x16f: {  	v23 =	vor.u32 $0x100, v22;
	v27 =	vld.idx.msk [tilespmem:v20+s4+$0x0], $0xffff  }
0x170: {  	v25 =	vand.u32 $0xFF, v13;
	v16 =	vld.idx.msk [tilespmem:v16+s4+$0x0], $0xffff  }
0x171: {  	s15 =	simm.s32 $0x3240;
	v26 =	vand.u32 $0xFF, v14;
	v7 =	vshrl.u32 v7, $0x8;
	v17 =	vld.idx.msk [tilespmem:v17+s4+$0x0], $0xffff  }
0x172: {  	v29 =	vor.u32 $0x100, v26;
	v22 =	vld.idx.msk [tilespmem:v22+s4+$0x0], $0xffff;
	[tilespmem:s15+$0xFFFFFFC0] =	vst v7;
	v7 =	vshrl.u32 v8, $0x8  }
0x173: {  	v28 =	vor.u32 $0x100, v24;
	v24 =	vld.idx.msk [tilespmem:v24+s4+$0x0], $0xffff;
	v8 =	vshrl.u32 v9, $0x8;
	[tilespmem:s15+$0x30] =	vst v7;
	v7 =	vmul.f32 v12, v21  }
0x174: {  	s12 =	simm.s32 $0x4240;
	v23 =	vld.idx.msk [tilespmem:v23+s4+$0x0], $0xffff;
	[tilespmem:s15+$0x10] =	vst v8;
	v12 =	vor.u32 $0x100, v25;
	v8 =	vmul.f32 v15, v19  }
0x175: {  	v62 =	vld.idx.msk [tilespmem:v25+s4+$0x0], $0xffff;
	v15 =	vand.u32 $0xFF, v18;
	[tilespmem:s12+$0xFFFFFFC0] =	vst v7;
	v7 =	vmul.f32 v16, v21  }
0x176: {  	s18 =	simm.s32 $0x4A40;
	v26 =	vld.idx.msk [tilespmem:v26+s4+$0x0], $0xffff;
	v63 =	vor.u32 $0x100, v15;
	[tilespmem:s12+$0x30] =	vst v8;
	v16 =	vmul.f32 v17, v19  }
0x177: {  	v9 =	vld.idx.msk [tilespmem:v29+s4+$0x0], $0xffff;
	v19 =	vor.u32 $0x100, v20;
	v20 =	vmul.f32 v22, v10;
	[tilespmem:s18+$0xFFFFFFC0] =	vst v7  }
0x178: {  	v8 =	vld.idx.msk [tilespmem:v28+s4+$0x0], $0xffff;
	[tilespmem:s18+$0x30] =	vst v16  }
0x179: {  	v7 =	vshrl.u32 v14, $0x8;
	v14 =	vshrl.u32 v11, $0x8;
	[tilespmem:s12+$0x10] =	vst v20;
	v11 =	vld.idx.msk [tilespmem:v12+s4+$0x0], $0xffff  }
0x17a: {  	v17 =	vmul.f32 v23, v10;
	[tilespmem:s15+$0xFFFFFFE0] =	vst v7;
	v12 =	vld.idx.msk [tilespmem:v15+s4+$0x0], $0xffff  }
0x17b: {  	s13 =	simm.s32 $0x42C0;
	s9 =	simm.s32 $0x3240;
	v13 =	vshrl.u32 v13, $0x8;
	v16 =	vmul.f32 v24, v5;
	v7 =	vmul.f32 v27, v3;
	[tilespmem:s15+$0x0] =	vst v14;
	v10 =	vld.idx.msk [tilespmem:v63+s4+$0x0], $0xffff  }
0x17c: {  	s19 =	simm.s32 $0x0;
	s20 =	simm.s32 $0x4AC0;
	s8 =	simm.s32 $0x3AC0;
	v18 =	vshrl.u32 v18, $0x8;
	[tilespmem:s15+$0xFFFFFFF0] =	vst v13;
	v14 =	vmul.f32 v62, v4;
	v15 =	vmul.f32 v26, v1;
	v13 =	vld.idx.msk [tilespmem:v19+s4+$0x0], $0xffff  }
.LBB2_11:
0x17d: {  	v19 =	vld [tilespmem:s8+$0xFFFFFFD0];
	s19 =	sadd.s32 $0x8, s19;
	[tilespmem:s18+$0x10] =	vst v17;
	s11 =	sadd.s32 $0x80, s11;
	s15 =	sadd.s32 $0x80, s15  }
0x17e: {  	v9 =	vmul.f32 v9, v1;
	p0 =	slt.u32 s19, $0x78;
	[tilespmem:s9+$0xFFFFFFD0] =	vst v18;
	v1 =	vld [tilespmem:s8+$0xFFFFFFE0]  }
0x17f: {  	v6 =	vshrl.u32 v6, $0x8;
	v11 =	vmul.f32 v11, v4;
	v4 =	vld [tilespmem:s8+$0xFFFFFFF0];
	[tilespmem:s12+$0x0] =	vst v16  }
0x180: {  	v12 =	vmul.f32 v12, v2;
	v16 =	vld [tilespmem:s8+$0x0];
	[tilespmem:s9+$0x20] =	vst v6;
	s9 =	smov.u32 s15  }
0x181: {  	v8 =	vmul.f32 v8, v5;
	v10 =	vmul.f32 v10, v2;
	v17 =	vld [tilespmem:s8+$0x10];
	[tilespmem:s12+$0xFFFFFFF0] =	vst v14  }
0x182: {  	v13 =	vmul.f32 v13, v3;
	[tilespmem:s12+$0xFFFFFFE0] =	vst v15;
	v3 =	vld [tilespmem:s8+$0x20];
	v2 =	vmov v19  }
0x183: {  	v14 =	vld [tilespmem:s11+$0xFFFFFFC0];
	[tilespmem:s12+$0xFFFFFFD0] =	vst v12  }
0x184: {  	v12 =	vld [tilespmem:s11+$0x30];
	[tilespmem:s12+$0x20] =	vst v7;
	s12 =	smov.u32 s13  }
0x185: {  	v6 =	vld [tilespmem:s11+$0x20];
	[tilespmem:s18+$0xFFFFFFF0] =	vst v11;
	v5 =	vmov v16  }
0x186: {  	v7 =	vld [tilespmem:s11+$0x10];
	[tilespmem:s18+$0x0] =	vst v8  }
0x187: {  	v11 =	vld [tilespmem:s11+$0x0];
	[tilespmem:s18+$0xFFFFFFE0] =	vst v9  }
0x188: {  	v8 =	vand.u32 $0xFF, v14;
	v15 =	vld [tilespmem:s11+$0xFFFFFFF0];
	[tilespmem:s18+$0x20] =	vst v13  }
0x189: {  	v9 =	vor.u32 $0x100, v8;
	v13 =	vld [tilespmem:s11+$0xFFFFFFE0];
	v16 =	vand.u32 $0xFF, v12;
	[tilespmem:s18+$0xFFFFFFD0] =	vst v10;
	s18 =	smov.u32 s20  }
0x18a: {  	v18 =	vld [tilespmem:s11+$0xFFFFFFD0];
	v10 =	vand.u32 $0xFF, v6;
	v19 =	vor.u32 $0x100, v16  }
0x18b: {  	v20 =	vand.u32 $0xFF, v7;
	v21 =	vor.u32 $0x100, v10;
	v22 =	vld [tilespmem:s8+$0x30]  }
0x18c: {  	v23 =	vld [tilespmem:s8+$0xFFFFFFC0];
	v24 =	vand.u32 $0xFF, v11;
	v25 =	vor.u32 $0x100, v20  }
0x18d: {  	v8 =	vld.idx.msk [tilespmem:v8+s4+$0x0], $0xffff;
	v26 =	vand.u32 $0xFF, v15;
	v27 =	vor.u32 $0x100, v24  }
0x18e: {  	v28 =	vand.u32 $0xFF, v13;
	v16 =	vld.idx.msk [tilespmem:v16+s4+$0x0], $0xffff  }
0x18f: {  	v14 =	vshrl.u32 v14, $0x8;
	v9 =	vld.idx.msk [tilespmem:v9+s4+$0x0], $0xffff;
	v29 =	vand.u32 $0xFF, v18;
	v30 =	vor.u32 $0x100, v28  }
0x190: {  	v12 =	vshrl.u32 v12, $0x8;
	v31 =	vor.u32 $0x100, v26;
	[tilespmem:s15+$0xFFFFFFC0] =	vst v14;
	v14 =	vor.u32 $0x100, v29;
	v19 =	vld.idx.msk [tilespmem:v19+s4+$0x0], $0xffff  }
0x191: {  	v10 =	vld.idx.msk [tilespmem:v10+s4+$0x0], $0xffff;
	[tilespmem:s15+$0x30] =	vst v12  }
0x192: {  	v12 =	vld.idx.msk [tilespmem:v20+s4+$0x0], $0xffff  }
0x193: {  	v7 =	vshrl.u32 v7, $0x8;
	v8 =	vmul.f32 v8, v23;
	v20 =	vld.idx.msk [tilespmem:v25+s4+$0x0], $0xffff  }
0x194: {  	v24 =	vld.idx.msk [tilespmem:v24+s4+$0x0], $0xffff;
	[tilespmem:s15+$0x10] =	vst v7;
	v7 =	vmul.f32 v16, v22  }
0x195: {  	[tilespmem:s13+$0xFFFFFFC0] =	vst v8;
	v8 =	vmul.f32 v9, v23;
	v23 =	vld.idx.msk [tilespmem:v26+s4+$0x0], $0xffff  }
0x196: {  	v16 =	vmul.f32 v19, v22;
	v25 =	vld.idx.msk [tilespmem:v28+s4+$0x0], $0xffff;
	[tilespmem:s13+$0x30] =	vst v7  }
0x197: {  	v19 =	vshrl.u32 v11, $0x8;
	v7 =	vmul.f32 v10, v3;
	[tilespmem:s20+$0xFFFFFFC0] =	vst v8;
	v8 =	vld.idx.msk [tilespmem:v27+s4+$0x0], $0xffff  }
.Ltmp4:
0x198: {  	v10 =	vshrl.u32 v13, $0x8;
	v13 =	vmul.f32 v12, v17;
	v9 =	vld.idx.msk [tilespmem:v30+s4+$0x0], $0xffff;
	[tilespmem:s20+$0x30] =	vst v16;
	(pc) =	sbr.rel @p0 .LBB2_11-.Ltmp4, $4  }
0x199: {  	v15 =	vshrl.u32 v15, $0x8;
	v17 =	vmul.f32 v20, v17;
	[tilespmem:s15+$0xFFFFFFE0] =	vst v10;
	v11 =	vld.idx.msk [tilespmem:v31+s4+$0x0], $0xffff  }
0x19a: {  	v16 =	vmul.f32 v24, v5;
	v12 =	vld.idx.msk [tilespmem:v29+s4+$0x0], $0xffff;
	[tilespmem:s15+$0x0] =	vst v19  }
0x19b: {  	v10 =	vld.idx.msk [tilespmem:v14+s4+$0x0], $0xffff;
	[tilespmem:s15+$0xFFFFFFF0] =	vst v15;
	v14 =	vmul.f32 v23, v4  }
0x19c: {  	s8 =	sadd.s32 $0x80, s8;
	v18 =	vshrl.u32 v18, $0x8;
	s13 =	sadd.s32 $0x80, s13;
	s20 =	sadd.s32 $0x80, s20;
	v15 =	vmul.f32 v25, v1;
	[tilespmem:s12+$0x10] =	vst v13;
	v13 =	vld.idx.msk [tilespmem:v21+s4+$0x0], $0xffff  }
0x19d: {  	[tilespmem:s18+$0x10] =	vst v17  }
0x19e: {  	[tilespmem:s9+$0xFFFFFFD0] =	vst v18  }
0x19f: {  	[tilespmem:s12+$0x0] =	vst v16  }
0x1a0: {  	v6 =	vshrl.u32 v6, $0x8;
	[tilespmem:s12+$0xFFFFFFF0] =	vst v14  }
0x1a1: {  	[tilespmem:s9+$0x20] =	vst v6  }
0x1a2: {  	v5 =	vmul.f32 v8, v5;
	[tilespmem:s12+$0xFFFFFFE0] =	vst v15  }
0x1a3: {  	v1 =	vmul.f32 v9, v1;
	[tilespmem:s12+$0x20] =	vst v7  }
0x1a4: {  	v4 =	vmul.f32 v11, v4;
	[tilespmem:s18+$0x0] =	vst v5  }
0x1a5: {  	v63 =	vmul.f32 v12, v2;
	[tilespmem:s18+$0xFFFFFFE0] =	vst v1  }
0x1a6: {  	s14 =	sadd.s32 $0x1, s14;
	[tilespmem:s18+$0xFFFFFFF0] =	vst v4;
	v2 =	vmul.f32 v10, v2  }
0x1a7: {  	p0 =	sne.s32 s14, $0x7;
	[tilespmem:s12+$0xFFFFFFD0] =	vst v63;
	v3 =	vmul.f32 v13, v3  }
.Ltmp5:
0x1a8: {  	[tilespmem:s18+$0xFFFFFFD0] =	vst v2;
	(pc) =	sbr.rel @p0 .LBB2_8-.Ltmp5, $4  }
0x1a9: {  	[tilespmem:s18+$0x20] =	vst v3  }
0x1aa: {  	[spmem:s2] =	stream.indirect.scatter.add.f32 [tilespmem:s0], [sflag:$0x2], $0x1, s31, s25, $0xb8;
	[tilespmem:$0x7200] =	vst v63  }
0x1ab: {  	_ = 	snop  }
0x1ac: {  	[spmem:s3] =	stream.indirect.scatter.add.f32 [tilespmem:s1], [sflag:$0x2], $0x1, s31, s25, $0xb8;
	[tilespmem:$0x7200] =	vst v63  }
0x1ad: {  	_ =	swait.ge [sflag:s5], $0x800  }
0x1ae: {  	[sflag:s5] =	ssyncset.done $0x0  }
0x1af: {  	[sflag:s5] =	ssyncadd.s32 $0xFFFFF800  }
0x1b0: {  	_ =	swait.ge [sflag:s5], $0x800  }
0x1b1: {  	[sflag:s5] =	ssyncset.done $0x0  }
0x1b2: {  	[sflag:s5] =	ssyncadd.s32 $0xFFFFF800  }
0x1b3: {  	_ =	swait.ge [sflag:s10], $0x800  }
0x1b4: {  	[sflag:s10] =	ssyncset.done $0x0  }
0x1b5: {  	[sflag:s10] =	ssyncadd.s32 $0xFFFFF800  }
0x1b6: {  	_ =	swait.ge [sflag:s10], $0x800  }
0x1b7: {  	[sflag:s10] =	ssyncset.done $0x0  }
0x1b8: {  	[sflag:s10] =	ssyncadd.s32 $0xFFFFF800  }
0x1b9: {  	s8 =	stileid.u32;
	s14 =	simm.s32 $0x20;
	[bflag:$0x0] =	sbarrier.arrive $0xFFFF  }
0x1ba: {  	s15 =	simm.s32 $0x10;
	s8 =	sshll.u32 s8, $0x6;
	s11 =	rddreg [dreg:$0x5]  }
0x1bb: {  	s8 =	sor.u32 $0x1C03, s8;
	s12 =	rddreg [dreg:$0xd];
	s9 =	sshrl.u32 s11, $0x3  }
0x1bc: {  	[hbm:s12@s14], [sflag:s8] =	dma.strided [spmem:s9@s15], $0x200, s5, $0x10   }
0x1bd: {  	_ =	swait.ge [sflag:s21], $0x200  }
0x1be: {  	[sflag:s21] =	ssyncset.done $0x0;
	s12 =	rddreg [dreg:$0x6]  }
0x1bf: {  	s13 =	rddreg [dreg:$0xe];
	[sflag:s21] =	ssyncadd.s32 $0xFFFFFE00;
	s19 =	sshrl.u32 s12, $0x3  }
0x1c0: {  	[hbm:s13@s14], [sflag:s8] =	dma.strided [spmem:s19@s15], $0x200, s5, $0x10   }
0x1c1: {  	_ =	swait.ge [sflag:s21], $0x200  }
0x1c2: {  	s20 =	rddreg [dreg:$0x10]  }
0x1c3: {  	s23 =	rddreg [dreg:$0xf];
	s9 =	sadd.s32 $0x1, s20  }
0x1c4: {  	p0 =	sne.s32 s9, s23  }
.Ltmp6:
0x1c5: {  	_ = 	snop;
	(pc) =	sbr.rel @p0 .LBB2_1-.Ltmp6, $3  }
0x1c6: {  	_ =	sdelay $0x1  }
0x1c7: {  	[sflag:s21] =	ssyncset.done $0x0  }
0x1c8: {  	[sflag:s21] =	ssyncadd.s32 $0xFFFFFE00  }
0x1c9: {  	_ =	sfence.sel $0x180000  }
0x1ca: {  	[bflag:$0x0] =	sbarrier.arrive $0xFFFF  }
0x1cb: {  	_ =	strace $0x90000047  }
0x1cc: {  	s0 =	stileid.u32;
	[bflag:$0x2] =	sbarrier.arrive $0xFFFF  }
0x1cd: {  	p0 =	sne.s32 s0, $0x0;
	s0 =	rddreg [dreg:$0x4]  }
0x1ce: {  	s0 =	sadd.s32 @!p0 $0x100000, s0  }
0x1cf: {  	[sflag:s0] =	ssyncadd.tile.s32 @!p0 $0x1;
	_ =	shalt  }
.Lfunc_end2:
_tile_overlayer_lowered:
.L_overlay_start_2:
0x1d0: {  	(tag) =	ssettag $0x2  }
0x1d1: {  	s0 =	rddreg [dreg:$0x0];
	s2 =	stileid.u32  }
0x1d2: {  	s1 =	rddreg [dreg:$0x1];
	p0 =	sne.s32 s2, $0x0  }
0x1d3: {  	s3 =	rddreg [dreg:$0x2];
	[bflag:$0x3] =	sbarrier.arrive $0xFFFF;
	s2 =	simm.s32 @!p0 $0x1C03  }
0x1d4: {  	[timem:s3], [sflag:s2] =	dma.local @!p0 [hbm:s0], s1  }
0x1d5: {  	s0 =	simm.s32 @!p0 $0x3  }
0x1d6: {  	_ =	swait.ge @!p0 [sflag:s0], s1  }
0x1d7: {  	s1 =	ssub.s32 @!p0 $0x0, s1;
	[sflag:s0] =	ssyncset.done @!p0 $0x0  }
0x1d8: {  	[sflag:s0] =	ssyncadd.s32 @!p0 s1  }
0x1d9: {  	[bflag:$0x3] =	sbarrier.arrive $0xFFFF  }
0x1da: {  	_ =	shalt  }

</sc_bundles>
